<compile_context>
chip_gen: v7x
topology: tpu7x:2x2x1
jax: 0.10.2.dev20260603
libtpu: 0.0.44.dev20260713+nightly
codegen_flags: <defaults>
</compile_context>

<pallas_src>
import functools

import jax
import jax.numpy as jnp
from jax import lax
from jax.experimental import pallas as pl
from jax.experimental.pallas import tpu as pltpu
from jax.experimental.pallas import tpu_sc as plsc

NUM_EMB = 100000
EMBED_DIM = 64
BATCH = 16384

_info = plsc.get_sparse_core_info()
_NC, _NS = _info.num_cores, _info.num_subcores
_NW = _NC * _NS
_B_PER_W = BATCH // _NW
_T_PER_W = _B_PER_W // 8


def _gather_body(y_hbm, emb_hbm, out_hbm, idx_v, buf, gsem):
    wid = lax.axis_index("s") * _NC + lax.axis_index("c")
    base = wid * _B_PER_W
    pltpu.sync_copy(y_hbm.at[pl.ds(base, _B_PER_W)], idx_v)

    def body(k, _):
        v = idx_v[pl.ds(k * 16, 16)]
        for l in range(16):
            idx = v[l]
            q = jax.lax.shift_right_logical(idx, 3)
            r = jax.lax.rem(idx, 8)
            pltpu.async_copy(
                emb_hbm.at[q, r], buf.at[2 * k + l // 8, l % 8], gsem
            )
        return 0

    lax.fori_loop(0, _B_PER_W // 16, body, 0)
    pltpu.make_async_copy(emb_hbm.at[pl.ds(0, _T_PER_W)], buf, gsem).wait()
    pltpu.sync_copy(buf, out_hbm.at[pl.ds(wid * _T_PER_W, _T_PER_W)])


@jax.jit
def kernel(y, emb):
    emb3 = emb.reshape(NUM_EMB // 8, 8, EMBED_DIM)
    mesh = plsc.VectorSubcoreMesh(core_axis_name="c", subcore_axis_name="s")
    f = functools.partial(
        pl.kernel,
        mesh=mesh,
        out_type=jax.ShapeDtypeStruct((BATCH // 8, 8, EMBED_DIM), jnp.float32),
        scratch_types=[
            pltpu.VMEM((_B_PER_W,), jnp.int32),
            pltpu.VMEM((_T_PER_W, 8, EMBED_DIM), jnp.float32),
            pltpu.SemaphoreType.DMA,
        ],
    )(_gather_body)
    out3 = f(y, emb3)
    return out3.reshape(BATCH, EMBED_DIM)

# --- scband reference (transcript-rebuilt; emitter-appended) ---
"""Pipeline reference for scband-cond-embedding-17643725652569 (READ-ONLY COPY).

The authoritative reference and input builder live on the scoring server;
editing this copy changes nothing except your own understanding.
"""

import jax, jax.numpy as jnp
import numpy as np

NUM_EMB = 100000
EMBED_DIM = 64
BATCH = 16384


def setup_inputs(seed: int = 0) -> dict:
    key = jax.random.key(seed)
    k_idx, k_emb = jax.random.split(key)
    y = jax.random.randint(k_idx, (BATCH,), 0, NUM_EMB, dtype=jnp.int32)
    # nn.Embedding default init: N(0, 1)
    emb = jax.random.normal(k_emb, (NUM_EMB, EMBED_DIM), dtype=jnp.float32)
    return {"y": y, "emb": emb}


def reference(y, emb):
    # CondEmbedding with use_age_groups=True: out = self.emb(y)
    return jnp.take(emb, y, axis=0)

if __name__ == "__main__":
    import jax
    _d = setup_inputs()
    print(jax.jit(kernel)(*tuple(_d.values())))

</pallas_src>

<mosaic_0001>
#map = affine_map<(d0, d1) -> (0)>
#map1 = affine_map<(d0, d1) -> (0, 0, 0)>
module attributes {stable_mosaic.version = 14 : i64} {
  func.func @_gather_body(%arg0: i32, %arg1: i32, %arg2: memref<16384xi32, #tpu.memory_space<hbm>>, %arg3: memref<12500x8x64xf32, #tpu.memory_space<hbm>>, %arg4: memref<2048x8x64xf32, #tpu.memory_space<hbm>>, %arg5: memref<512xi32, #tpu.memory_space<vmem>>, %arg6: memref<64x8x64xf32, #tpu.memory_space<vmem>>, %arg7: memref<!tpu.dma_semaphore, #tpu.memory_space<semaphore_mem>>) attributes {dimension_semantics = [#tpu.dimension_semantics<core_parallel>, #tpu.dimension_semantics<subcore_parallel>], iteration_bounds = array<i64: 2, 16>, scalar_prefetch = 0 : i64, scratch_operands = 3 : i64, tpu.core_type = #tpu.core_type<sc_vector_subcore>, window_params = [{transform_indices = #map}, {transform_indices = #map1}, {transform_indices = #map1}]} {
    %mul3A = arith.constant 2 : i32
    %mul3A_0 = arith.muli %arg1, %mul3A : i32
    %add3A = arith.addi %mul3A_0, %arg0 : i32
    %mul3A_1 = arith.constant 512 : i32
    %mul3A_2 = arith.muli %add3A, %mul3A_1 : i32
    "tpu.region"() ({
      %run_scoped3A = tpu.sem_alloc : memref<!tpu.dma_semaphore, #tpu.memory_space<semaphore_mem>>
      %dma_start3A = tpu.memref_slice %arg2[%mul3A_2] : memref<16384xi32, #tpu.memory_space<hbm>> -> memref<512xi32, #tpu.memory_space<hbm>>
      %dma_start3A_18 = tpu.memref_slice %arg2[%mul3A_2] : memref<16384xi32, #tpu.memory_space<hbm>> -> memref<512xi32, #tpu.memory_space<hbm>>
      tpu.enqueue_dma source(%dma_start3A_18 : memref<512xi32, #tpu.memory_space<hbm>>) target(%arg5 : memref<512xi32, #tpu.memory_space<vmem>>) target_semaphore(%run_scoped3A : memref<!tpu.dma_semaphore, #tpu.memory_space<semaphore_mem>>)
      %dma_wait3A_19 = tpu.memref_slice %arg2[%mul3A_2] : memref<16384xi32, #tpu.memory_space<hbm>> -> memref<512xi32, #tpu.memory_space<hbm>>
      %dma_wait3A_20 = tpu.memref_slice %arg2[%mul3A_2] : memref<16384xi32, #tpu.memory_space<hbm>> -> memref<512xi32, #tpu.memory_space<hbm>>
      tpu.wait_dma2 semaphore(%run_scoped3A : memref<!tpu.dma_semaphore, #tpu.memory_space<semaphore_mem>>) src(%dma_wait3A_20 : memref<512xi32, #tpu.memory_space<hbm>>) dst(%arg5 : memref<512xi32, #tpu.memory_space<vmem>>)
      tpu.yield
    }) : () -> ()
    %scan3A = arith.constant 0 : i32
    %scan3A_3 = arith.constant 0 : i32
    %scan3A_4 = arith.constant 32 : i32
    %scan3A_5 = arith.addi %scan3A_3, %scan3A_4 : i32
    %scan3A_6 = arith.constant 1 : i32
    %scan3A_7 = scf.for %scan3A_18 = %scan3A_3 to %scan3A_5 step %scan3A_6 iter_args(%scan3A_19 = %scan3A) -> (i32)  : i32 {
      %mul3A_20 = arith.constant 16 : i32
      %mul3A_21 = arith.muli %scan3A_18, %mul3A_20 : i32
      %get3A = arith.index_cast %mul3A_21 : i32 to index
      %get3A_22 = tpu.vector_load %arg5[%get3A] {strides = array<i32>} : memref<512xi32, #tpu.memory_space<vmem>>, vector<16xi32>,
      %get3A_23 = vector.shape_cast %get3A_22 : vector<16xi32> to vector<16xi32>
      %slice3A = vector.extract_strided_slice %get3A_23 {offsets = [0], sizes = [1], strides = [1]} : vector<16xi32> to vector<1xi32>
      %squeeze3A = vector.extract %slice3A[0] : i32 from vector<1xi32>
      %shift_right_logical3A = arith.constant 3 : i32
      %shift_right_logical3A_24 = arith.shrui %squeeze3A, %shift_right_logical3A : i32
      %rem3A = arith.constant 8 : i32
      %rem3A_25 = arith.remsi %squeeze3A, %rem3A : i32
      %mul3A_26 = arith.constant 2 : i32
      %mul3A_27 = arith.muli %mul3A_26, %scan3A_18 : i32
      %add3A_28 = arith.constant 0 : i32
      %add3A_29 = arith.addi %mul3A_27, %add3A_28 : i32
      %dma_start3A = arith.constant 0 : i32
      %dma_start3A_30 = arith.constant 0 : i32
      %dma_start3A_31 = tpu.memref_slice %arg6[%add3A_29, %dma_start3A, %dma_start3A_30] : memref<64x8x64xf32, #tpu.memory_space<vmem>> -> memref<1x1x64xf32, #tpu.memory_space<vmem>>
      %dma_start3A_32 = tpu.memref_squeeze %dma_start3A_31 : memref<1x1x64xf32, #tpu.memory_space<vmem>> -> memref<64xf32, #tpu.memory_space<vmem>>
      %dma_start3A_33 = arith.constant 0 : i32
      %dma_start3A_34 = tpu.memref_slice %arg3[%shift_right_logical3A_24, %rem3A_25, %dma_start3A_33] : memref<12500x8x64xf32, #tpu.memory_space<hbm>> -> memref<1x1x64xf32, #tpu.memory_space<hbm>>
      %dma_start3A_35 = tpu.memref_squeeze %dma_start3A_34 : memref<1x1x64xf32, #tpu.memory_space<hbm>> -> memref<64xf32, #tpu.memory_space<hbm>>
      %dma_start3A_36 = arith.constant 0 : i32
      %dma_start3A_37 = tpu.memref_slice %arg6[%add3A_29, %dma_start3A, %dma_start3A_36] : memref<64x8x64xf32, #tpu.memory_space<vmem>> -> memref<1x1x64xf32, #tpu.memory_space<vmem>>
      %dma_start3A_38 = tpu.memref_squeeze %dma_start3A_37 : memref<1x1x64xf32, #tpu.memory_space<vmem>> -> memref<64xf32, #tpu.memory_space<vmem>>
      %dma_start3A_39 = arith.constant 0 : i32
      %dma_start3A_40 = tpu.memref_slice %arg3[%shift_right_logical3A_24, %rem3A_25, %dma_start3A_39] : memref<12500x8x64xf32, #tpu.memory_space<hbm>> -> memref<1x1x64xf32, #tpu.memory_space<hbm>>
      %dma_start3A_41 = tpu.memref_squeeze %dma_start3A_40 : memref<1x1x64xf32, #tpu.memory_space<hbm>> -> memref<64xf32, #tpu.memory_space<hbm>>
      tpu.enqueue_dma source(%dma_start3A_41 : memref<64xf32, #tpu.memory_space<hbm>>) target(%dma_start3A_38 : memref<64xf32, #tpu.memory_space<vmem>>) target_semaphore(%arg7 : memref<!tpu.dma_semaphore, #tpu.memory_space<semaphore_mem>>)
      %slice3A_42 = vector.extract_strided_slice %get3A_23 {offsets = [1], sizes = [1], strides = [1]} : vector<16xi32> to vector<1xi32>
      %squeeze3A_43 = vector.extract %slice3A_42[0] : i32 from vector<1xi32>
      %shift_right_logical3A_44 = arith.constant 3 : i32
      %shift_right_logical3A_45 = arith.shrui %squeeze3A_43, %shift_right_logical3A_44 : i32
      %rem3A_46 = arith.constant 8 : i32
      %rem3A_47 = arith.remsi %squeeze3A_43, %rem3A_46 : i32
      %mul3A_48 = arith.constant 2 : i32
      %mul3A_49 = arith.muli %mul3A_48, %scan3A_18 : i32
      %add3A_50 = arith.constant 0 : i32
      %add3A_51 = arith.addi %mul3A_49, %add3A_50 : i32
      %dma_start3A_52 = arith.constant 1 : i32
      %dma_start3A_53 = arith.constant 0 : i32
      %dma_start3A_54 = tpu.memref_slice %arg6[%add3A_51, %dma_start3A_52, %dma_start3A_53] : memref<64x8x64xf32, #tpu.memory_space<vmem>> -> memref<1x1x64xf32, #tpu.memory_space<vmem>>
      %dma_start3A_55 = tpu.memref_squeeze %dma_start3A_54 : memref<1x1x64xf32, #tpu.memory_space<vmem>> -> memref<64xf32, #tpu.memory_space<vmem>>
      %dma_start3A_56 = arith.constant 0 : i32
      %dma_start3A_57 = tpu.memref_slice %arg3[%shift_right_logical3A_45, %rem3A_47, %dma_start3A_56] : memref<12500x8x64xf32, #tpu.memory_space<hbm>> -> memref<1x1x64xf32, #tpu.memory_space<hbm>>
      %dma_start3A_58 = tpu.memref_squeeze %dma_start3A_57 : memref<1x1x64xf32, #tpu.memory_space<hbm>> -> memref<64xf32, #tpu.memory_space<hbm>>
      %dma_start3A_59 = arith.constant 0 : i32
      %dma_start3A_60 = tpu.memref_slice %arg6[%add3A_51, %dma_start3A_52, %dma_start3A_59] : memref<64x8x64xf32, #tpu.memory_space<vmem>> -> memref<1x1x64xf32, #tpu.memory_space<vmem>>
      %dma_start3A_61 = tpu.memref_squeeze %dma_start3A_60 : memref<1x1x64xf32, #tpu.memory_space<vmem>> -> memref<64xf32, #tpu.memory_space<vmem>>
      %dma_start3A_62 = arith.constant 0 : i32
      %dma_start3A_63 = tpu.memref_slice %arg3[%shift_right_logical3A_45, %rem3A_47, %dma_start3A_62] : memref<12500x8x64xf32, #tpu.memory_space<hbm>> -> memref<1x1x64xf32, #tpu.memory_space<hbm>>
      %dma_start3A_64 = tpu.memref_squeeze %dma_start3A_63 : memref<1x1x64xf32, #tpu.memory_space<hbm>> -> memref<64xf32, #tpu.memory_space<hbm>>
      tpu.enqueue_dma source(%dma_start3A_64 : memref<64xf32, #tpu.memory_space<hbm>>) target(%dma_start3A_61 : memref<64xf32, #tpu.memory_space<vmem>>) target_semaphore(%arg7 : memref<!tpu.dma_semaphore, #tpu.memory_space<semaphore_mem>>)
      %slice3A_65 = vector.extract_strided_slice %get3A_23 {offsets = [2], sizes = [1], strides = [1]} : vector<16xi32> to vector<1xi32>
      %squeeze3A_66 = vector.extract %slice3A_65[0] : i32 from vector<1xi32>
      %shift_right_logical3A_67 = arith.constant 3 : i32
      %shift_right_logical3A_68 = arith.shrui %squeeze3A_66, %shift_right_logical3A_67 : i32
      %rem3A_69 = arith.constant 8 : i32
      %rem3A_70 = arith.remsi %squeeze3A_66, %rem3A_69 : i32
      %mul3A_71 = arith.constant 2 : i32
      %mul3A_72 = arith.muli %mul3A_71, %scan3A_18 : i32
      %add3A_73 = arith.constant 0 : i32
      %add3A_74 = arith.addi %mul3A_72, %add3A_73 : i32
      %dma_start3A_75 = arith.constant 2 : i32
      %dma_start3A_76 = arith.constant 0 : i32
      %dma_start3A_77 = tpu.memref_slice %arg6[%add3A_74, %dma_start3A_75, %dma_start3A_76] : memref<64x8x64xf32, #tpu.memory_space<vmem>> -> memref<1x1x64xf32, #tpu.memory_space<vmem>>
      %dma_start3A_78 = tpu.memref_squeeze %dma_start3A_77 : memref<1x1x64xf32, #tpu.memory_space<vmem>> -> memref<64xf32, #tpu.memory_space<vmem>>
      %dma_start3A_79 = arith.constant 0 : i32
      %dma_start3A_80 = tpu.memref_slice %arg3[%shift_right_logical3A_68, %rem3A_70, %dma_start3A_79] : memref<12500x8x64xf32, #tpu.memory_space<hbm>> -> memref<1x1x64xf32, #tpu.memory_space<hbm>>
      %dma_start3A_81 = tpu.memref_squeeze %dma_start3A_80 : memref<1x1x64xf32, #tpu.memory_space<hbm>> -> memref<64xf32, #tpu.memory_space<hbm>>
      %dma_start3A_82 = arith.constant 0 : i32
      %dma_start3A_83 = tpu.memref_slice %arg6[%add3A_74, %dma_start3A_75, %dma_start3A_82] : memref<64x8x64xf32, #tpu.memory_space<vmem>> -> memref<1x1x64xf32, #tpu.memory_space<vmem>>
      %dma_start3A_84 = tpu.memref_squeeze %dma_start3A_83 : memref<1x1x64xf32, #tpu.memory_space<vmem>> -> memref<64xf32, #tpu.memory_space<vmem>>
      %dma_start3A_85 = arith.constant 0 : i32
      %dma_start3A_86 = tpu.memref_slice %arg3[%shift_right_logical3A_68, %rem3A_70, %dma_start3A_85] : memref<12500x8x64xf32, #tpu.memory_space<hbm>> -> memref<1x1x64xf32, #tpu.memory_space<hbm>>
      %dma_start3A_87 = tpu.memref_squeeze %dma_start3A_86 : memref<1x1x64xf32, #tpu.memory_space<hbm>> -> memref<64xf32, #tpu.memory_space<hbm>>
      tpu.enqueue_dma source(%dma_start3A_87 : memref<64xf32, #tpu.memory_space<hbm>>) target(%dma_start3A_84 : memref<64xf32, #tpu.memory_space<vmem>>) target_semaphore(%arg7 : memref<!tpu.dma_semaphore, #tpu.memory_space<semaphore_mem>>)
      %slice3A_88 = vector.extract_strided_slice %get3A_23 {offsets = [3], sizes = [1], strides = [1]} : vector<16xi32> to vector<1xi32>
      %squeeze3A_89 = vector.extract %slice3A_88[0] : i32 from vector<1xi32>
      %shift_right_logical3A_90 = arith.constant 3 : i32
      %shift_right_logical3A_91 = arith.shrui %squeeze3A_89, %shift_right_logical3A_90 : i32
      %rem3A_92 = arith.constant 8 : i32
      %rem3A_93 = arith.remsi %squeeze3A_89, %rem3A_92 : i32
      %mul3A_94 = arith.constant 2 : i32
      %mul3A_95 = arith.muli %mul3A_94, %scan3A_18 : i32
      %add3A_96 = arith.constant 0 : i32
      %add3A_97 = arith.addi %mul3A_95, %add3A_96 : i32
      %dma_start3A_98 = arith.constant 3 : i32
      %dma_start3A_99 = arith.constant 0 : i32
      %dma_start3A_100 = tpu.memref_slice %arg6[%add3A_97, %dma_start3A_98, %dma_start3A_99] : memref<64x8x64xf32, #tpu.memory_space<vmem>> -> memref<1x1x64xf32, #tpu.memory_space<vmem>>
      %dma_start3A_101 = tpu.memref_squeeze %dma_start3A_100 : memref<1x1x64xf32, #tpu.memory_space<vmem>> -> memref<64xf32, #tpu.memory_space<vmem>>
      %dma_start3A_102 = arith.constant 0 : i32
      %dma_start3A_103 = tpu.memref_slice %arg3[%shift_right_logical3A_91, %rem3A_93, %dma_start3A_102] : memref<12500x8x64xf32, #tpu.memory_space<hbm>> -> memref<1x1x64xf32, #tpu.memory_space<hbm>>
      %dma_start3A_104 = tpu.memref_squeeze %dma_start3A_103 : memref<1x1x64xf32, #tpu.memory_space<hbm>> -> memref<64xf32, #tpu.memory_space<hbm>>
      %dma_start3A_105 = arith.constant 0 : i32
      %dma_start3A_106 = tpu.memref_slice %arg6[%add3A_97, %dma_start3A_98, %dma_start3A_105] : memref<64x8x64xf32, #tpu.memory_space<vmem>> -> memref<1x1x64xf32, #tpu.memory_space<vmem>>
      %dma_start3A_107 = tpu.memref_squeeze %dma_start3A_106 : memref<1x1x64xf32, #tpu.memory_space<vmem>> -> memref<64xf32, #tpu.memory_space<vmem>>
      %dma_start3A_108 = arith.constant 0 : i32
      %dma_start3A_109 = tpu.memref_slice %arg3[%shift_right_logical3A_91, %rem3A_93, %dma_start3A_108] : memref<12500x8x64xf32, #tpu.memory_space<hbm>> -> memref<1x1x64xf32, #tpu.memory_space<hbm>>
      %dma_start3A_110 = tpu.memref_squeeze %dma_start3A_109 : memref<1x1x64xf32, #tpu.memory_space<hbm>> -> memref<64xf32, #tpu.memory_space<hbm>>
      tpu.enqueue_dma source(%dma_start3A_110 : memref<64xf32, #tpu.memory_space<hbm>>) target(%dma_start3A_107 : memref<64xf32, #tpu.memory_space<vmem>>) target_semaphore(%arg7 : memref<!tpu.dma_semaphore, #tpu.memory_space<semaphore_mem>>)
      %slice3A_111 = vector.extract_strided_slice %get3A_23 {offsets = [4], sizes = [1], strides = [1]} : vector<16xi32> to vector<1xi32>
      %squeeze3A_112 = vector.extract %slice3A_111[0] : i32 from vector<1xi32>
      %shift_right_logical3A_113 = arith.constant 3 : i32
      %shift_right_logical3A_114 = arith.shrui %squeeze3A_112, %shift_right_logical3A_113 : i32
      %rem3A_115 = arith.constant 8 : i32
      %rem3A_116 = arith.remsi %squeeze3A_112, %rem3A_115 : i32
      %mul3A_117 = arith.constant 2 : i32
      %mul3A_118 = arith.muli %mul3A_117, %scan3A_18 : i32
      %add3A_119 = arith.constant 0 : i32
      %add3A_120 = arith.addi %mul3A_118, %add3A_119 : i32
      %dma_start3A_121 = arith.constant 4 : i32
      %dma_start3A_122 = arith.constant 0 : i32
      %dma_start3A_123 = tpu.memref_slice %arg6[%add3A_120, %dma_start3A_121, %dma_start3A_122] : memref<64x8x64xf32, #tpu.memory_space<vmem>> -> memref<1x1x64xf32, #tpu.memory_space<vmem>>
      %dma_start3A_124 = tpu.memref_squeeze %dma_start3A_123 : memref<1x1x64xf32, #tpu.memory_space<vmem>> -> memref<64xf32, #tpu.memory_space<vmem>>
      %dma_start3A_125 = arith.constant 0 : i32
      %dma_start3A_126 = tpu.memref_slice %arg3[%shift_right_logical3A_114, %rem3A_116, %dma_start3A_125] : memref<12500x8x64xf32, #tpu.memory_space<hbm>> -> memref<1x1x64xf32, #tpu.memory_space<hbm>>
      %dma_start3A_127 = tpu.memref_squeeze %dma_start3A_126 : memref<1x1x64xf32, #tpu.memory_space<hbm>> -> memref<64xf32, #tpu.memory_space<hbm>>
      %dma_start3A_128 = arith.constant 0 : i32
      %dma_start3A_129 = tpu.memref_slice %arg6[%add3A_120, %dma_start3A_121, %dma_start3A_128] : memref<64x8x64xf32, #tpu.memory_space<vmem>> -> memref<1x1x64xf32, #tpu.memory_space<vmem>>
      %dma_start3A_130 = tpu.memref_squeeze %dma_start3A_129 : memref<1x1x64xf32, #tpu.memory_space<vmem>> -> memref<64xf32, #tpu.memory_space<vmem>>
      %dma_start3A_131 = arith.constant 0 : i32
      %dma_start3A_132 = tpu.memref_slice %arg3[%shift_right_logical3A_114, %rem3A_116, %dma_start3A_131] : memref<12500x8x64xf32, #tpu.memory_space<hbm>> -> memref<1x1x64xf32, #tpu.memory_space<hbm>>
      %dma_start3A_133 = tpu.memref_squeeze %dma_start3A_132 : memref<1x1x64xf32, #tpu.memory_space<hbm>> -> memref<64xf32, #tpu.memory_space<hbm>>
      tpu.enqueue_dma source(%dma_start3A_133 : memref<64xf32, #tpu.memory_space<hbm>>) target(%dma_start3A_130 : memref<64xf32, #tpu.memory_space<vmem>>) target_semaphore(%arg7 : memref<!tpu.dma_semaphore, #tpu.memory_space<semaphore_mem>>)
      %slice3A_134 = vector.extract_strided_slice %get3A_23 {offsets = [5], sizes = [1], strides = [1]} : vector<16xi32> to vector<1xi32>
      %squeeze3A_135 = vector.extract %slice3A_134[0] : i32 from vector<1xi32>
      %shift_right_logical3A_136 = arith.constant 3 : i32
      %shift_right_logical3A_137 = arith.shrui %squeeze3A_135, %shift_right_logical3A_136 : i32
      %rem3A_138 = arith.constant 8 : i32
      %rem3A_139 = arith.remsi %squeeze3A_135, %rem3A_138 : i32
      %mul3A_140 = arith.constant 2 : i32
      %mul3A_141 = arith.muli %mul3A_140, %scan3A_18 : i32
      %add3A_142 = arith.constant 0 : i32
      %add3A_143 = arith.addi %mul3A_141, %add3A_142 : i32
      %dma_start3A_144 = arith.constant 5 : i32
      %dma_start3A_145 = arith.constant 0 : i32
      %dma_start3A_146 = tpu.memref_slice %arg6[%add3A_143, %dma_start3A_144, %dma_start3A_145] : memref<64x8x64xf32, #tpu.memory_space<vmem>> -> memref<1x1x64xf32, #tpu.memory_space<vmem>>
      %dma_start3A_147 = tpu.memref_squeeze %dma_start3A_146 : memref<1x1x64xf32, #tpu.memory_space<vmem>> -> memref<64xf32, #tpu.memory_space<vmem>>
      %dma_start3A_148 = arith.constant 0 : i32
      %dma_start3A_149 = tpu.memref_slice %arg3[%shift_right_logical3A_137, %rem3A_139, %dma_start3A_148] : memref<12500x8x64xf32, #tpu.memory_space<hbm>> -> memref<1x1x64xf32, #tpu.memory_space<hbm>>
      %dma_start3A_150 = tpu.memref_squeeze %dma_start3A_149 : memref<1x1x64xf32, #tpu.memory_space<hbm>> -> memref<64xf32, #tpu.memory_space<hbm>>
      %dma_start3A_151 = arith.constant 0 : i32
      %dma_start3A_152 = tpu.memref_slice %arg6[%add3A_143, %dma_start3A_144, %dma_start3A_151] : memref<64x8x64xf32, #tpu.memory_space<vmem>> -> memref<1x1x64xf32, #tpu.memory_space<vmem>>
      %dma_start3A_153 = tpu.memref_squeeze %dma_start3A_152 : memref<1x1x64xf32, #tpu.memory_space<vmem>> -> memref<64xf32, #tpu.memory_space<vmem>>
      %dma_start3A_154 = arith.constant 0 : i32
      %dma_start3A_155 = tpu.memref_slice %arg3[%shift_right_logical3A_137, %rem3A_139, %dma_start3A_154] : memref<12500x8x64xf32, #tpu.memory_space<hbm>> -> memref<1x1x64xf32, #tpu.memory_space<hbm>>
      %dma_start3A_156 = tpu.memref_squeeze %dma_start3A_155 : memref<1x1x64xf32, #tpu.memory_space<hbm>> -> memref<64xf32, #tpu.memory_space<hbm>>
      tpu.enqueue_dma source(%dma_start3A_156 : memref<64xf32, #tpu.memory_space<hbm>>) target(%dma_start3A_153 : memref<64xf32, #tpu.memory_space<vmem>>) target_semaphore(%arg7 : memref<!tpu.dma_semaphore, #tpu.memory_space<semaphore_mem>>)
      %slice3A_157 = vector.extract_strided_slice %get3A_23 {offsets = [6], sizes = [1], strides = [1]} : vector<16xi32> to vector<1xi32>
      %squeeze3A_158 = vector.extract %slice3A_157[0] : i32 from vector<1xi32>
      %shift_right_logical3A_159 = arith.constant 3 : i32
      %shift_right_logical3A_160 = arith.shrui %squeeze3A_158, %shift_right_logical3A_159 : i32
      %rem3A_161 = arith.constant 8 : i32
      %rem3A_162 = arith.remsi %squeeze3A_158, %rem3A_161 : i32
      %mul3A_163 = arith.constant 2 : i32
      %mul3A_164 = arith.muli %mul3A_163, %scan3A_18 : i32
      %add3A_165 = arith.constant 0 : i32
      %add3A_166 = arith.addi %mul3A_164, %add3A_165 : i32
      %dma_start3A_167 = arith.constant 6 : i32
      %dma_start3A_168 = arith.constant 0 : i32
      %dma_start3A_169 = tpu.memref_slice %arg6[%add3A_166, %dma_start3A_167, %dma_start3A_168] : memref<64x8x64xf32, #tpu.memory_space<vmem>> -> memref<1x1x64xf32, #tpu.memory_space<vmem>>
      %dma_start3A_170 = tpu.memref_squeeze %dma_start3A_169 : memref<1x1x64xf32, #tpu.memory_space<vmem>> -> memref<64xf32, #tpu.memory_space<vmem>>
      %dma_start3A_171 = arith.constant 0 : i32
      %dma_start3A_172 = tpu.memref_slice %arg3[%shift_right_logical3A_160, %rem3A_162, %dma_start3A_171] : memref<12500x8x64xf32, #tpu.memory_space<hbm>> -> memref<1x1x64xf32, #tpu.memory_space<hbm>>
      %dma_start3A_173 = tpu.memref_squeeze %dma_start3A_172 : memref<1x1x64xf32, #tpu.memory_space<hbm>> -> memref<64xf32, #tpu.memory_space<hbm>>
      %dma_start3A_174 = arith.constant 0 : i32
      %dma_start3A_175 = tpu.memref_slice %arg6[%add3A_166, %dma_start3A_167, %dma_start3A_174] : memref<64x8x64xf32, #tpu.memory_space<vmem>> -> memref<1x1x64xf32, #tpu.memory_space<vmem>>
      %dma_start3A_176 = tpu.memref_squeeze %dma_start3A_175 : memref<1x1x64xf32, #tpu.memory_space<vmem>> -> memref<64xf32, #tpu.memory_space<vmem>>
      %dma_start3A_177 = arith.constant 0 : i32
      %dma_start3A_178 = tpu.memref_slice %arg3[%shift_right_logical3A_160, %rem3A_162, %dma_start3A_177] : memref<12500x8x64xf32, #tpu.memory_space<hbm>> -> memref<1x1x64xf32, #tpu.memory_space<hbm>>
      %dma_start3A_179 = tpu.memref_squeeze %dma_start3A_178 : memref<1x1x64xf32, #tpu.memory_space<hbm>> -> memref<64xf32, #tpu.memory_space<hbm>>
      tpu.enqueue_dma source(%dma_start3A_179 : memref<64xf32, #tpu.memory_space<hbm>>) target(%dma_start3A_176 : memref<64xf32, #tpu.memory_space<vmem>>) target_semaphore(%arg7 : memref<!tpu.dma_semaphore, #tpu.memory_space<semaphore_mem>>)
      %slice3A_180 = vector.extract_strided_slice %get3A_23 {offsets = [7], sizes = [1], strides = [1]} : vector<16xi32> to vector<1xi32>
      %squeeze3A_181 = vector.extract %slice3A_180[0] : i32 from vector<1xi32>
      %shift_right_logical3A_182 = arith.constant 3 : i32
      %shift_right_logical3A_183 = arith.shrui %squeeze3A_181, %shift_right_logical3A_182 : i32
      %rem3A_184 = arith.constant 8 : i32
      %rem3A_185 = arith.remsi %squeeze3A_181, %rem3A_184 : i32
      %mul3A_186 = arith.constant 2 : i32
      %mul3A_187 = arith.muli %mul3A_186, %scan3A_18 : i32
      %add3A_188 = arith.constant 0 : i32
      %add3A_189 = arith.addi %mul3A_187, %add3A_188 : i32
      %dma_start3A_190 = arith.constant 7 : i32
      %dma_start3A_191 = arith.constant 0 : i32
      %dma_start3A_192 = tpu.memref_slice %arg6[%add3A_189, %dma_start3A_190, %dma_start3A_191] : memref<64x8x64xf32, #tpu.memory_space<vmem>> -> memref<1x1x64xf32, #tpu.memory_space<vmem>>
      %dma_start3A_193 = tpu.memref_squeeze %dma_start3A_192 : memref<1x1x64xf32, #tpu.memory_space<vmem>> -> memref<64xf32, #tpu.memory_space<vmem>>
      %dma_start3A_194 = arith.constant 0 : i32
      %dma_start3A_195 = tpu.memref_slice %arg3[%shift_right_logical3A_183, %rem3A_185, %dma_start3A_194] : memref<12500x8x64xf32, #tpu.memory_space<hbm>> -> memref<1x1x64xf32, #tpu.memory_space<hbm>>
      %dma_start3A_196 = tpu.memref_squeeze %dma_start3A_195 : memref<1x1x64xf32, #tpu.memory_space<hbm>> -> memref<64xf32, #tpu.memory_space<hbm>>
      %dma_start3A_197 = arith.constant 0 : i32
      %dma_start3A_198 = tpu.memref_slice %arg6[%add3A_189, %dma_start3A_190, %dma_start3A_197] : memref<64x8x64xf32, #tpu.memory_space<vmem>> -> memref<1x1x64xf32, #tpu.memory_space<vmem>>
      %dma_start3A_199 = tpu.memref_squeeze %dma_start3A_198 : memref<1x1x64xf32, #tpu.memory_space<vmem>> -> memref<64xf32, #tpu.memory_space<vmem>>
      %dma_start3A_200 = arith.constant 0 : i32
      %dma_start3A_201 = tpu.memref_slice %arg3[%shift_right_logical3A_183, %rem3A_185, %dma_start3A_200] : memref<12500x8x64xf32, #tpu.memory_space<hbm>> -> memref<1x1x64xf32, #tpu.memory_space<hbm>>
      %dma_start3A_202 = tpu.memref_squeeze %dma_start3A_201 : memref<1x1x64xf32, #tpu.memory_space<hbm>> -> memref<64xf32, #tpu.memory_space<hbm>>
      tpu.enqueue_dma source(%dma_start3A_202 : memref<64xf32, #tpu.memory_space<hbm>>) target(%dma_start3A_199 : memref<64xf32, #tpu.memory_space<vmem>>) target_semaphore(%arg7 : memref<!tpu.dma_semaphore, #tpu.memory_space<semaphore_mem>>)
      %slice3A_203 = vector.extract_strided_slice %get3A_23 {offsets = [8], sizes = [1], strides = [1]} : vector<16xi32> to vector<1xi32>
      %squeeze3A_204 = vector.extract %slice3A_203[0] : i32 from vector<1xi32>
      %shift_right_logical3A_205 = arith.constant 3 : i32
      %shift_right_logical3A_206 = arith.shrui %squeeze3A_204, %shift_right_logical3A_205 : i32
      %rem3A_207 = arith.constant 8 : i32
      %rem3A_208 = arith.remsi %squeeze3A_204, %rem3A_207 : i32
      %mul3A_209 = arith.constant 2 : i32
      %mul3A_210 = arith.muli %mul3A_209, %scan3A_18 : i32
      %add3A_211 = arith.constant 1 : i32
      %add3A_212 = arith.addi %mul3A_210, %add3A_211 : i32
      %dma_start3A_213 = arith.constant 0 : i32
      %dma_start3A_214 = arith.constant 0 : i32
      %dma_start3A_215 = tpu.memref_slice %arg6[%add3A_212, %dma_start3A_213, %dma_start3A_214] : memref<64x8x64xf32, #tpu.memory_space<vmem>> -> memref<1x1x64xf32, #tpu.memory_space<vmem>>
      %dma_start3A_216 = tpu.memref_squeeze %dma_start3A_215 : memref<1x1x64xf32, #tpu.memory_space<vmem>> -> memref<64xf32, #tpu.memory_space<vmem>>
      %dma_start3A_217 = arith.constant 0 : i32
      %dma_start3A_218 = tpu.memref_slice %arg3[%shift_right_logical3A_206, %rem3A_208, %dma_start3A_217] : memref<12500x8x64xf32, #tpu.memory_space<hbm>> -> memref<1x1x64xf32, #tpu.memory_space<hbm>>
      %dma_start3A_219 = tpu.memref_squeeze %dma_start3A_218 : memref<1x1x64xf32, #tpu.memory_space<hbm>> -> memref<64xf32, #tpu.memory_space<hbm>>
      %dma_start3A_220 = arith.constant 0 : i32
      %dma_start3A_221 = tpu.memref_slice %arg6[%add3A_212, %dma_start3A_213, %dma_start3A_220] : memref<64x8x64xf32, #tpu.memory_space<vmem>> -> memref<1x1x64xf32, #tpu.memory_space<vmem>>
      %dma_start3A_222 = tpu.memref_squeeze %dma_start3A_221 : memref<1x1x64xf32, #tpu.memory_space<vmem>> -> memref<64xf32, #tpu.memory_space<vmem>>
      %dma_start3A_223 = arith.constant 0 : i32
      %dma_start3A_224 = tpu.memref_slice %arg3[%shift_right_logical3A_206, %rem3A_208, %dma_start3A_223] : memref<12500x8x64xf32, #tpu.memory_space<hbm>> -> memref<1x1x64xf32, #tpu.memory_space<hbm>>
      %dma_start3A_225 = tpu.memref_squeeze %dma_start3A_224 : memref<1x1x64xf32, #tpu.memory_space<hbm>> -> memref<64xf32, #tpu.memory_space<hbm>>
      tpu.enqueue_dma source(%dma_start3A_225 : memref<64xf32, #tpu.memory_space<hbm>>) target(%dma_start3A_222 : memref<64xf32, #tpu.memory_space<vmem>>) target_semaphore(%arg7 : memref<!tpu.dma_semaphore, #tpu.memory_space<semaphore_mem>>)
      %slice3A_226 = vector.extract_strided_slice %get3A_23 {offsets = [9], sizes = [1], strides = [1]} : vector<16xi32> to vector<1xi32>
      %squeeze3A_227 = vector.extract %slice3A_226[0] : i32 from vector<1xi32>
      %shift_right_logical3A_228 = arith.constant 3 : i32
      %shift_right_logical3A_229 = arith.shrui %squeeze3A_227, %shift_right_logical3A_228 : i32
      %rem3A_230 = arith.constant 8 : i32
      %rem3A_231 = arith.remsi %squeeze3A_227, %rem3A_230 : i32
      %mul3A_232 = arith.constant 2 : i32
      %mul3A_233 = arith.muli %mul3A_232, %scan3A_18 : i32
      %add3A_234 = arith.constant 1 : i32
      %add3A_235 = arith.addi %mul3A_233, %add3A_234 : i32
      %dma_start3A_236 = arith.constant 1 : i32
      %dma_start3A_237 = arith.constant 0 : i32
      %dma_start3A_238 = tpu.memref_slice %arg6[%add3A_235, %dma_start3A_236, %dma_start3A_237] : memref<64x8x64xf32, #tpu.memory_space<vmem>> -> memref<1x1x64xf32, #tpu.memory_space<vmem>>
      %dma_start3A_239 = tpu.memref_squeeze %dma_start3A_238 : memref<1x1x64xf32, #tpu.memory_space<vmem>> -> memref<64xf32, #tpu.memory_space<vmem>>
      %dma_start3A_240 = arith.constant 0 : i32
      %dma_start3A_241 = tpu.memref_slice %arg3[%shift_right_logical3A_229, %rem3A_231, %dma_start3A_240] : memref<12500x8x64xf32, #tpu.memory_space<hbm>> -> memref<1x1x64xf32, #tpu.memory_space<hbm>>
      %dma_start3A_242 = tpu.memref_squeeze %dma_start3A_241 : memref<1x1x64xf32, #tpu.memory_space<hbm>> -> memref<64xf32, #tpu.memory_space<hbm>>
      %dma_start3A_243 = arith.constant 0 : i32
      %dma_start3A_244 = tpu.memref_slice %arg6[%add3A_235, %dma_start3A_236, %dma_start3A_243] : memref<64x8x64xf32, #tpu.memory_space<vmem>> -> memref<1x1x64xf32, #tpu.memory_space<vmem>>
      %dma_start3A_245 = tpu.memref_squeeze %dma_start3A_244 : memref<1x1x64xf32, #tpu.memory_space<vmem>> -> memref<64xf32, #tpu.memory_space<vmem>>
      %dma_start3A_246 = arith.constant 0 : i32
      %dma_start3A_247 = tpu.memref_slice %arg3[%shift_right_logical3A_229, %rem3A_231, %dma_start3A_246] : memref<12500x8x64xf32, #tpu.memory_space<hbm>> -> memref<1x1x64xf32, #tpu.memory_space<hbm>>
      %dma_start3A_248 = tpu.memref_squeeze %dma_start3A_247 : memref<1x1x64xf32, #tpu.memory_space<hbm>> -> memref<64xf32, #tpu.memory_space<hbm>>
      tpu.enqueue_dma source(%dma_start3A_248 : memref<64xf32, #tpu.memory_space<hbm>>) target(%dma_start3A_245 : memref<64xf32, #tpu.memory_space<vmem>>) target_semaphore(%arg7 : memref<!tpu.dma_semaphore, #tpu.memory_space<semaphore_mem>>)
      %slice3A_249 = vector.extract_strided_slice %get3A_23 {offsets = [10], sizes = [1], strides = [1]} : vector<16xi32> to vector<1xi32>
      %squeeze3A_250 = vector.extract %slice3A_249[0] : i32 from vector<1xi32>
      %shift_right_logical3A_251 = arith.constant 3 : i32
      %shift_right_logical3A_252 = arith.shrui %squeeze3A_250, %shift_right_logical3A_251 : i32
      %rem3A_253 = arith.constant 8 : i32
      %rem3A_254 = arith.remsi %squeeze3A_250, %rem3A_253 : i32
      %mul3A_255 = arith.constant 2 : i32
      %mul3A_256 = arith.muli %mul3A_255, %scan3A_18 : i32
      %add3A_257 = arith.constant 1 : i32
      %add3A_258 = arith.addi %mul3A_256, %add3A_257 : i32
      %dma_start3A_259 = arith.constant 2 : i32
      %dma_start3A_260 = arith.constant 0 : i32
      %dma_start3A_261 = tpu.memref_slice %arg6[%add3A_258, %dma_start3A_259, %dma_start3A_260] : memref<64x8x64xf32, #tpu.memory_space<vmem>> -> memref<1x1x64xf32, #tpu.memory_space<vmem>>
      %dma_start3A_262 = tpu.memref_squeeze %dma_start3A_261 : memref<1x1x64xf32, #tpu.memory_space<vmem>> -> memref<64xf32, #tpu.memory_space<vmem>>
      %dma_start3A_263 = arith.constant 0 : i32
      %dma_start3A_264 = tpu.memref_slice %arg3[%shift_right_logical3A_252, %rem3A_254, %dma_start3A_263] : memref<12500x8x64xf32, #tpu.memory_space<hbm>> -> memref<1x1x64xf32, #tpu.memory_space<hbm>>
      %dma_start3A_265 = tpu.memref_squeeze %dma_start3A_264 : memref<1x1x64xf32, #tpu.memory_space<hbm>> -> memref<64xf32, #tpu.memory_space<hbm>>
      %dma_start3A_266 = arith.constant 0 : i32
      %dma_start3A_267 = tpu.memref_slice %arg6[%add3A_258, %dma_start3A_259, %dma_start3A_266] : memref<64x8x64xf32, #tpu.memory_space<vmem>> -> memref<1x1x64xf32, #tpu.memory_space<vmem>>
      %dma_start3A_268 = tpu.memref_squeeze %dma_start3A_267 : memref<1x1x64xf32, #tpu.memory_space<vmem>> -> memref<64xf32, #tpu.memory_space<vmem>>
      %dma_start3A_269 = arith.constant 0 : i32
      %dma_start3A_270 = tpu.memref_slice %arg3[%shift_right_logical3A_252, %rem3A_254, %dma_start3A_269] : memref<12500x8x64xf32, #tpu.memory_space<hbm>> -> memref<1x1x64xf32, #tpu.memory_space<hbm>>
      %dma_start3A_271 = tpu.memref_squeeze %dma_start3A_270 : memref<1x1x64xf32, #tpu.memory_space<hbm>> -> memref<64xf32, #tpu.memory_space<hbm>>
      tpu.enqueue_dma source(%dma_start3A_271 : memref<64xf32, #tpu.memory_space<hbm>>) target(%dma_start3A_268 : memref<64xf32, #tpu.memory_space<vmem>>) target_semaphore(%arg7 : memref<!tpu.dma_semaphore, #tpu.memory_space<semaphore_mem>>)
      %slice3A_272 = vector.extract_strided_slice %get3A_23 {offsets = [11], sizes = [1], strides = [1]} : vector<16xi32> to vector<1xi32>
      %squeeze3A_273 = vector.extract %slice3A_272[0] : i32 from vector<1xi32>
      %shift_right_logical3A_274 = arith.constant 3 : i32
      %shift_right_logical3A_275 = arith.shrui %squeeze3A_273, %shift_right_logical3A_274 : i32
      %rem3A_276 = arith.constant 8 : i32
      %rem3A_277 = arith.remsi %squeeze3A_273, %rem3A_276 : i32
      %mul3A_278 = arith.constant 2 : i32
      %mul3A_279 = arith.muli %mul3A_278, %scan3A_18 : i32
      %add3A_280 = arith.constant 1 : i32
      %add3A_281 = arith.addi %mul3A_279, %add3A_280 : i32
      %dma_start3A_282 = arith.constant 3 : i32
      %dma_start3A_283 = arith.constant 0 : i32
      %dma_start3A_284 = tpu.memref_slice %arg6[%add3A_281, %dma_start3A_282, %dma_start3A_283] : memref<64x8x64xf32, #tpu.memory_space<vmem>> -> memref<1x1x64xf32, #tpu.memory_space<vmem>>
      %dma_start3A_285 = tpu.memref_squeeze %dma_start3A_284 : memref<1x1x64xf32, #tpu.memory_space<vmem>> -> memref<64xf32, #tpu.memory_space<vmem>>
      %dma_start3A_286 = arith.constant 0 : i32
      %dma_start3A_287 = tpu.memref_slice %arg3[%shift_right_logical3A_275, %rem3A_277, %dma_start3A_286] : memref<12500x8x64xf32, #tpu.memory_space<hbm>> -> memref<1x1x64xf32, #tpu.memory_space<hbm>>
      %dma_start3A_288 = tpu.memref_squeeze %dma_start3A_287 : memref<1x1x64xf32, #tpu.memory_space<hbm>> -> memref<64xf32, #tpu.memory_space<hbm>>
      %dma_start3A_289 = arith.constant 0 : i32
      %dma_start3A_290 = tpu.memref_slice %arg6[%add3A_281, %dma_start3A_282, %dma_start3A_289] : memref<64x8x64xf32, #tpu.memory_space<vmem>> -> memref<1x1x64xf32, #tpu.memory_space<vmem>>
      %dma_start3A_291 = tpu.memref_squeeze %dma_start3A_290 : memref<1x1x64xf32, #tpu.memory_space<vmem>> -> memref<64xf32, #tpu.memory_space<vmem>>
      %dma_start3A_292 = arith.constant 0 : i32
      %dma_start3A_293 = tpu.memref_slice %arg3[%shift_right_logical3A_275, %rem3A_277, %dma_start3A_292] : memref<12500x8x64xf32, #tpu.memory_space<hbm>> -> memref<1x1x64xf32, #tpu.memory_space<hbm>>
      %dma_start3A_294 = tpu.memref_squeeze %dma_start3A_293 : memref<1x1x64xf32, #tpu.memory_space<hbm>> -> memref<64xf32, #tpu.memory_space<hbm>>
      tpu.enqueue_dma source(%dma_start3A_294 : memref<64xf32, #tpu.memory_space<hbm>>) target(%dma_start3A_291 : memref<64xf32, #tpu.memory_space<vmem>>) target_semaphore(%arg7 : memref<!tpu.dma_semaphore, #tpu.memory_space<semaphore_mem>>)
      %slice3A_295 = vector.extract_strided_slice %get3A_23 {offsets = [12], sizes = [1], strides = [1]} : vector<16xi32> to vector<1xi32>
      %squeeze3A_296 = vector.extract %slice3A_295[0] : i32 from vector<1xi32>
      %shift_right_logical3A_297 = arith.constant 3 : i32
      %shift_right_logical3A_298 = arith.shrui %squeeze3A_296, %shift_right_logical3A_297 : i32
      %rem3A_299 = arith.constant 8 : i32
      %rem3A_300 = arith.remsi %squeeze3A_296, %rem3A_299 : i32
      %mul3A_301 = arith.constant 2 : i32
      %mul3A_302 = arith.muli %mul3A_301, %scan3A_18 : i32
      %add3A_303 = arith.constant 1 : i32
      %add3A_304 = arith.addi %mul3A_302, %add3A_303 : i32
      %dma_start3A_305 = arith.constant 4 : i32
      %dma_start3A_306 = arith.constant 0 : i32
      %dma_start3A_307 = tpu.memref_slice %arg6[%add3A_304, %dma_start3A_305, %dma_start3A_306] : memref<64x8x64xf32, #tpu.memory_space<vmem>> -> memref<1x1x64xf32, #tpu.memory_space<vmem>>
      %dma_start3A_308 = tpu.memref_squeeze %dma_start3A_307 : memref<1x1x64xf32, #tpu.memory_space<vmem>> -> memref<64xf32, #tpu.memory_space<vmem>>
      %dma_start3A_309 = arith.constant 0 : i32
      %dma_start3A_310 = tpu.memref_slice %arg3[%shift_right_logical3A_298, %rem3A_300, %dma_start3A_309] : memref<12500x8x64xf32, #tpu.memory_space<hbm>> -> memref<1x1x64xf32, #tpu.memory_space<hbm>>
      %dma_start3A_311 = tpu.memref_squeeze %dma_start3A_310 : memref<1x1x64xf32, #tpu.memory_space<hbm>> -> memref<64xf32, #tpu.memory_space<hbm>>
      %dma_start3A_312 = arith.constant 0 : i32
      %dma_start3A_313 = tpu.memref_slice %arg6[%add3A_304, %dma_start3A_305, %dma_start3A_312] : memref<64x8x64xf32, #tpu.memory_space<vmem>> -> memref<1x1x64xf32, #tpu.memory_space<vmem>>
      %dma_start3A_314 = tpu.memref_squeeze %dma_start3A_313 : memref<1x1x64xf32, #tpu.memory_space<vmem>> -> memref<64xf32, #tpu.memory_space<vmem>>
      %dma_start3A_315 = arith.constant 0 : i32
      %dma_start3A_316 = tpu.memref_slice %arg3[%shift_right_logical3A_298, %rem3A_300, %dma_start3A_315] : memref<12500x8x64xf32, #tpu.memory_space<hbm>> -> memref<1x1x64xf32, #tpu.memory_space<hbm>>
      %dma_start3A_317 = tpu.memref_squeeze %dma_start3A_316 : memref<1x1x64xf32, #tpu.memory_space<hbm>> -> memref<64xf32, #tpu.memory_space<hbm>>
      tpu.enqueue_dma source(%dma_start3A_317 : memref<64xf32, #tpu.memory_space<hbm>>) target(%dma_start3A_314 : memref<64xf32, #tpu.memory_space<vmem>>) target_semaphore(%arg7 : memref<!tpu.dma_semaphore, #tpu.memory_space<semaphore_mem>>)
      %slice3A_318 = vector.extract_strided_slice %get3A_23 {offsets = [13], sizes = [1], strides = [1]} : vector<16xi32> to vector<1xi32>
      %squeeze3A_319 = vector.extract %slice3A_318[0] : i32 from vector<1xi32>
      %shift_right_logical3A_320 = arith.constant 3 : i32
      %shift_right_logical3A_321 = arith.shrui %squeeze3A_319, %shift_right_logical3A_320 : i32
      %rem3A_322 = arith.constant 8 : i32
      %rem3A_323 = arith.remsi %squeeze3A_319, %rem3A_322 : i32
      %mul3A_324 = arith.constant 2 : i32
      %mul3A_325 = arith.muli %mul3A_324, %scan3A_18 : i32
      %add3A_326 = arith.constant 1 : i32
      %add3A_327 = arith.addi %mul3A_325, %add3A_326 : i32
      %dma_start3A_328 = arith.constant 5 : i32
      %dma_start3A_329 = arith.constant 0 : i32
      %dma_start3A_330 = tpu.memref_slice %arg6[%add3A_327, %dma_start3A_328, %dma_start3A_329] : memref<64x8x64xf32, #tpu.memory_space<vmem>> -> memref<1x1x64xf32, #tpu.memory_space<vmem>>
      %dma_start3A_331 = tpu.memref_squeeze %dma_start3A_330 : memref<1x1x64xf32, #tpu.memory_space<vmem>> -> memref<64xf32, #tpu.memory_space<vmem>>
      %dma_start3A_332 = arith.constant 0 : i32
      %dma_start3A_333 = tpu.memref_slice %arg3[%shift_right_logical3A_321, %rem3A_323, %dma_start3A_332] : memref<12500x8x64xf32, #tpu.memory_space<hbm>> -> memref<1x1x64xf32, #tpu.memory_space<hbm>>
      %dma_start3A_334 = tpu.memref_squeeze %dma_start3A_333 : memref<1x1x64xf32, #tpu.memory_space<hbm>> -> memref<64xf32, #tpu.memory_space<hbm>>
      %dma_start3A_335 = arith.constant 0 : i32
      %dma_start3A_336 = tpu.memref_slice %arg6[%add3A_327, %dma_start3A_328, %dma_start3A_335] : memref<64x8x64xf32, #tpu.memory_space<vmem>> -> memref<1x1x64xf32, #tpu.memory_space<vmem>>
      %dma_start3A_337 = tpu.memref_squeeze %dma_start3A_336 : memref<1x1x64xf32, #tpu.memory_space<vmem>> -> memref<64xf32, #tpu.memory_space<vmem>>
      %dma_start3A_338 = arith.constant 0 : i32
      %dma_start3A_339 = tpu.memref_slice %arg3[%shift_right_logical3A_321, %rem3A_323, %dma_start3A_338] : memref<12500x8x64xf32, #tpu.memory_space<hbm>> -> memref<1x1x64xf32, #tpu.memory_space<hbm>>
      %dma_start3A_340 = tpu.memref_squeeze %dma_start3A_339 : memref<1x1x64xf32, #tpu.memory_space<hbm>> -> memref<64xf32, #tpu.memory_space<hbm>>
      tpu.enqueue_dma source(%dma_start3A_340 : memref<64xf32, #tpu.memory_space<hbm>>) target(%dma_start3A_337 : memref<64xf32, #tpu.memory_space<vmem>>) target_semaphore(%arg7 : memref<!tpu.dma_semaphore, #tpu.memory_space<semaphore_mem>>)
      %slice3A_341 = vector.extract_strided_slice %get3A_23 {offsets = [14], sizes = [1], strides = [1]} : vector<16xi32> to vector<1xi32>
      %squeeze3A_342 = vector.extract %slice3A_341[0] : i32 from vector<1xi32>
      %shift_right_logical3A_343 = arith.constant 3 : i32
      %shift_right_logical3A_344 = arith.shrui %squeeze3A_342, %shift_right_logical3A_343 : i32
      %rem3A_345 = arith.constant 8 : i32
      %rem3A_346 = arith.remsi %squeeze3A_342, %rem3A_345 : i32
      %mul3A_347 = arith.constant 2 : i32
      %mul3A_348 = arith.muli %mul3A_347, %scan3A_18 : i32
      %add3A_349 = arith.constant 1 : i32
      %add3A_350 = arith.addi %mul3A_348, %add3A_349 : i32
      %dma_start3A_351 = arith.constant 6 : i32
      %dma_start3A_352 = arith.constant 0 : i32
      %dma_start3A_353 = tpu.memref_slice %arg6[%add3A_350, %dma_start3A_351, %dma_start3A_352] : memref<64x8x64xf32, #tpu.memory_space<vmem>> -> memref<1x1x64xf32, #tpu.memory_space<vmem>>
      %dma_start3A_354 = tpu.memref_squeeze %dma_start3A_353 : memref<1x1x64xf32, #tpu.memory_space<vmem>> -> memref<64xf32, #tpu.memory_space<vmem>>
      %dma_start3A_355 = arith.constant 0 : i32
      %dma_start3A_356 = tpu.memref_slice %arg3[%shift_right_logical3A_344, %rem3A_346, %dma_start3A_355] : memref<12500x8x64xf32, #tpu.memory_space<hbm>> -> memref<1x1x64xf32, #tpu.memory_space<hbm>>
      %dma_start3A_357 = tpu.memref_squeeze %dma_start3A_356 : memref<1x1x64xf32, #tpu.memory_space<hbm>> -> memref<64xf32, #tpu.memory_space<hbm>>
      %dma_start3A_358 = arith.constant 0 : i32
      %dma_start3A_359 = tpu.memref_slice %arg6[%add3A_350, %dma_start3A_351, %dma_start3A_358] : memref<64x8x64xf32, #tpu.memory_space<vmem>> -> memref<1x1x64xf32, #tpu.memory_space<vmem>>
      %dma_start3A_360 = tpu.memref_squeeze %dma_start3A_359 : memref<1x1x64xf32, #tpu.memory_space<vmem>> -> memref<64xf32, #tpu.memory_space<vmem>>
      %dma_start3A_361 = arith.constant 0 : i32
      %dma_start3A_362 = tpu.memref_slice %arg3[%shift_right_logical3A_344, %rem3A_346, %dma_start3A_361] : memref<12500x8x64xf32, #tpu.memory_space<hbm>> -> memref<1x1x64xf32, #tpu.memory_space<hbm>>
      %dma_start3A_363 = tpu.memref_squeeze %dma_start3A_362 : memref<1x1x64xf32, #tpu.memory_space<hbm>> -> memref<64xf32, #tpu.memory_space<hbm>>
      tpu.enqueue_dma source(%dma_start3A_363 : memref<64xf32, #tpu.memory_space<hbm>>) target(%dma_start3A_360 : memref<64xf32, #tpu.memory_space<vmem>>) target_semaphore(%arg7 : memref<!tpu.dma_semaphore, #tpu.memory_space<semaphore_mem>>)
      %slice3A_364 = vector.extract_strided_slice %get3A_23 {offsets = [15], sizes = [1], strides = [1]} : vector<16xi32> to vector<1xi32>
      %squeeze3A_365 = vector.extract %slice3A_364[0] : i32 from vector<1xi32>
      %shift_right_logical3A_366 = arith.constant 3 : i32
      %shift_right_logical3A_367 = arith.shrui %squeeze3A_365, %shift_right_logical3A_366 : i32
      %rem3A_368 = arith.constant 8 : i32
      %rem3A_369 = arith.remsi %squeeze3A_365, %rem3A_368 : i32
      %mul3A_370 = arith.constant 2 : i32
      %mul3A_371 = arith.muli %mul3A_370, %scan3A_18 : i32
      %add3A_372 = arith.constant 1 : i32
      %add3A_373 = arith.addi %mul3A_371, %add3A_372 : i32
      %dma_start3A_374 = arith.constant 7 : i32
      %dma_start3A_375 = arith.constant 0 : i32
      %dma_start3A_376 = tpu.memref_slice %arg6[%add3A_373, %dma_start3A_374, %dma_start3A_375] : memref<64x8x64xf32, #tpu.memory_space<vmem>> -> memref<1x1x64xf32, #tpu.memory_space<vmem>>
      %dma_start3A_377 = tpu.memref_squeeze %dma_start3A_376 : memref<1x1x64xf32, #tpu.memory_space<vmem>> -> memref<64xf32, #tpu.memory_space<vmem>>
      %dma_start3A_378 = arith.constant 0 : i32
      %dma_start3A_379 = tpu.memref_slice %arg3[%shift_right_logical3A_367, %rem3A_369, %dma_start3A_378] : memref<12500x8x64xf32, #tpu.memory_space<hbm>> -> memref<1x1x64xf32, #tpu.memory_space<hbm>>
      %dma_start3A_380 = tpu.memref_squeeze %dma_start3A_379 : memref<1x1x64xf32, #tpu.memory_space<hbm>> -> memref<64xf32, #tpu.memory_space<hbm>>
      %dma_start3A_381 = arith.constant 0 : i32
      %dma_start3A_382 = tpu.memref_slice %arg6[%add3A_373, %dma_start3A_374, %dma_start3A_381] : memref<64x8x64xf32, #tpu.memory_space<vmem>> -> memref<1x1x64xf32, #tpu.memory_space<vmem>>
      %dma_start3A_383 = tpu.memref_squeeze %dma_start3A_382 : memref<1x1x64xf32, #tpu.memory_space<vmem>> -> memref<64xf32, #tpu.memory_space<vmem>>
      %dma_start3A_384 = arith.constant 0 : i32
      %dma_start3A_385 = tpu.memref_slice %arg3[%shift_right_logical3A_367, %rem3A_369, %dma_start3A_384] : memref<12500x8x64xf32, #tpu.memory_space<hbm>> -> memref<1x1x64xf32, #tpu.memory_space<hbm>>
      %dma_start3A_386 = tpu.memref_squeeze %dma_start3A_385 : memref<1x1x64xf32, #tpu.memory_space<hbm>> -> memref<64xf32, #tpu.memory_space<hbm>>
      tpu.enqueue_dma source(%dma_start3A_386 : memref<64xf32, #tpu.memory_space<hbm>>) target(%dma_start3A_383 : memref<64xf32, #tpu.memory_space<vmem>>) target_semaphore(%arg7 : memref<!tpu.dma_semaphore, #tpu.memory_space<semaphore_mem>>)
      %scan3A_387 = arith.constant 0 : i32
      scf.yield %scan3A_387 : i32
    }
    %scan3A_8 = arith.constant 32 : i32
    %dma_wait3A = arith.constant 0 : i32
    %dma_wait3A_9 = arith.constant 0 : i32
    %dma_wait3A_10 = arith.constant 0 : i32
    %dma_wait3A_11 = tpu.memref_slice %arg3[%dma_wait3A, %dma_wait3A_9, %dma_wait3A_10] : memref<12500x8x64xf32, #tpu.memory_space<hbm>> -> memref<64x8x64xf32, #tpu.memory_space<hbm>>
    %dma_wait3A_12 = arith.constant 0 : i32
    %dma_wait3A_13 = arith.constant 0 : i32
    %dma_wait3A_14 = arith.constant 0 : i32
    %dma_wait3A_15 = tpu.memref_slice %arg3[%dma_wait3A_12, %dma_wait3A_13, %dma_wait3A_14] : memref<12500x8x64xf32, #tpu.memory_space<hbm>> -> memref<64x8x64xf32, #tpu.memory_space<hbm>>
    tpu.wait_dma2 semaphore(%arg7 : memref<!tpu.dma_semaphore, #tpu.memory_space<semaphore_mem>>) src(%dma_wait3A_15 : memref<64x8x64xf32, #tpu.memory_space<hbm>>) dst(%arg6 : memref<64x8x64xf32, #tpu.memory_space<vmem>>)
    %mul3A_16 = arith.constant 64 : i32
    %mul3A_17 = arith.muli %add3A, %mul3A_16 : i32
    "tpu.region"() ({
      %run_scoped3A = tpu.sem_alloc : memref<!tpu.dma_semaphore, #tpu.memory_space<semaphore_mem>>
      %dma_start3A = arith.constant 0 : i32
      %dma_start3A_18 = arith.constant 0 : i32
      %dma_start3A_19 = tpu.memref_slice %arg4[%mul3A_17, %dma_start3A, %dma_start3A_18] : memref<2048x8x64xf32, #tpu.memory_space<hbm>> -> memref<64x8x64xf32, #tpu.memory_space<hbm>>
      %dma_start3A_20 = arith.constant 0 : i32
      %dma_start3A_21 = arith.constant 0 : i32
      %dma_start3A_22 = tpu.memref_slice %arg4[%mul3A_17, %dma_start3A_20, %dma_start3A_21] : memref<2048x8x64xf32, #tpu.memory_space<hbm>> -> memref<64x8x64xf32, #tpu.memory_space<hbm>>
      tpu.enqueue_dma source(%arg6 : memref<64x8x64xf32, #tpu.memory_space<vmem>>) target(%dma_start3A_22 : memref<64x8x64xf32, #tpu.memory_space<hbm>>) target_semaphore(%run_scoped3A : memref<!tpu.dma_semaphore, #tpu.memory_space<semaphore_mem>>)
      %dma_wait3A_23 = arith.constant 0 : i32
      %dma_wait3A_24 = arith.constant 0 : i32
      %dma_wait3A_25 = tpu.memref_slice %arg4[%mul3A_17, %dma_wait3A_23, %dma_wait3A_24] : memref<2048x8x64xf32, #tpu.memory_space<hbm>> -> memref<64x8x64xf32, #tpu.memory_space<hbm>>
      %dma_wait3A_26 = arith.constant 0 : i32
      %dma_wait3A_27 = arith.constant 0 : i32
      %dma_wait3A_28 = tpu.memref_slice %arg4[%mul3A_17, %dma_wait3A_26, %dma_wait3A_27] : memref<2048x8x64xf32, #tpu.memory_space<hbm>> -> memref<64x8x64xf32, #tpu.memory_space<hbm>>
      tpu.wait_dma2 semaphore(%run_scoped3A : memref<!tpu.dma_semaphore, #tpu.memory_space<semaphore_mem>>) src(%arg6 : memref<64x8x64xf32, #tpu.memory_space<vmem>>) dst(%dma_wait3A_28 : memref<64x8x64xf32, #tpu.memory_space<hbm>>)
      tpu.yield
    }) : () -> ()
    return
  }
}

</mosaic_0001>

<sc_bundles>
// kernel: kernel.3.cloned.1.call-start
scs
__scs_entry_jumppad:
0x0: {  	(pc) =	sbr.rel $0x88, $3  }
0x1: {  	(tag) =	ssettag $0x0;
	lr =	simm.s32 $0x1  }
0x2: {  	[smem:$0x3F9F] =	sst lr;
	_ =	strace $0xD0000000  }
0x3: {  	_ = 	snop  }
0x4: {  	_ = 	snop  }
0x5: {  	_ = 	snop  }
0x6: {  	_ = 	snop  }
0x7: {  	_ = 	snop  }
__scs_overlays_trampoline_lowered:
0x8: {  	[smem:$0x3FAE] =	sst s0  }
0x9: {  	[smem:$0x3FAF] =	sst s1  }
0xa: {  	[smem:$0x3FB0] =	sst s2  }
0xb: {  	[smem:$0x3FB1] =	sst s3  }
0xc: {  	[smem:$0x3FB2] =	sst s4  }
0xd: {  	[smem:$0x3FB3] =	sst s5  }
0xe: {  	[smem:$0x3FB4] =	sst s6  }
0xf: {  	[smem:$0x3FB5] =	sst s7  }
0x10: {  	[smem:$0x3FB6] =	sst s8  }
0x11: {  	[smem:$0x3FB7] =	sst s9;
	s0 =	simm.s32 @!p0 $0x0  }
0x12: {  	s1 =	sld [smem:$0x3F9D];
	s0 =	simm.s32 @p0 $0x1  }
0x13: {  	[smem:$0x3FB8] =	sst s0;
	s0 =	simm.s32 @!p1 $0x0  }
0x14: {  	s2 =	sld [smem:$0x3F9C];
	s0 =	simm.s32 @p1 $0x1  }
0x15: {  	[smem:$0x3FB9] =	sst s0;
	s0 =	simm.s32 @!p2 $0x0  }
0x16: {  	s3 =	sld [smem:$0x3FDB];
	s0 =	simm.s32 @p2 $0x1  }
0x17: {  	s4 =	simm.s32 $0x1BF5;
	[smem:$0x3FBB] =	sst s0  }
0x18: {  	s0 =	sld [smem:$0x3F9E];
	_ =	swait.ge [sflag:s4], $0x0  }
0x19: {  	s7 =	sld [smem:$0x3F9F]  }
0x1a: {  	s8 =	sadd.s32 $0xFFFFE003, lr  }
0x1b: {  	s9 =	sadd.s32 $0xFFFFFEF7, lr;
	s5 =	simm.s32 $0xFFFFFFFF;
	p2 =	slt.u32 s8, $0xFFFFF086  }
0x1c: {  	p1 =	slt.u32 s9, $0xF7A;
	s5 =	simm.s32 @!p2 $0x0  }
0x1d: {  	s5 =	simm.s32 @p1 $0x1;
	p0 =	seq.s32 s7, s2  }
0x1e: {  	s7 =	smul.u32 @!p0 $0xF7A, s2;
	p2 =	seq.s32 @!p0 s5, $0x0  }
0x1f: {  	s9 =	smul.u32 $0xF7A, s1;
	s8 =	simm.s32 @!p0 $0x1BF5;
	p2 =	por !p2, p0  }
0x20: {  	[sflag:s8] =	ssyncset.s32 @!p0 $0xFFFFF086;
	s6 =	sadd.s32 @!p0 s3, s7;
	s7 =	simm.s32 @!p0 $0x108  }
0x21: {  	s3 =	sadd.s32 s3, s9;
	s6 =	sadd.s32 @!p0 $0x88, s6;
	s7 =	simm.s32 @p2 $0x1082  }
0x22: {  	[simem:s7], [sflag:s8] =	dma.local @!p0 [hbm:s6], $0xF7A  }
0x23: {  	s9 =	sor.u32 $0xD0000000, s2;
	s6 =	simm.s32 $0x108;
	_ =	swait.ge @!p0 [sflag:s8], $0x0  }
0x24: {  	s3 =	sadd.s32 $0x88, s3;
	s6 =	simm.s32 @!p1 $0x1082;
	[sflag:s4] =	ssyncset.s32 $0xFFFFF086  }
0x25: {  	[simem:s6], [sflag:s4] =	dma.local [hbm:s3], $0xF7A  }
0x26: {  	[smem:$0x3F9F] =	sst s1;
	(tag) =	ssettag s2;
	_ =	strace s9  }
0x27: {  	s1 =	sld [smem:$0x3FAF]  }
0x28: {  	s2 =	sld [smem:$0x3FB0]  }
0x29: {  	s4 =	sld [smem:$0x3FB2]  }
0x2a: {  	p0 =	seq.s32 s5, $0x0;
	s5 =	sld [smem:$0x3FB3]  }
0x2b: {  	s6 =	sld [smem:$0x3FB4]  }
0x2c: {  	s7 =	sld [smem:$0x3FB5]  }
0x2d: {  	s3 =	simm.s32 $0x108;
	s8 =	sld [smem:$0x3FB6]  }
0x2e: {  	s3 =	simm.s32 @!p0 $0x1082;
	s9 =	sld [smem:$0x3FB7]  }
0x2f: {  	lr =	sadd.s32 s0, s3;
	s0 =	sld [smem:$0x3FAE]  }
0x30: {  	s3 =	sld [smem:$0x3FB1]  }
0x31: {  	[smem:$0x3FBA] =	sst s10  }
0x32: {  	s10 =	sld [smem:$0x3FB8];
	_ =	sdelay $0x3  }
0x33: {  	p0 =	seq.s32 s10, $0x1;
	s10 =	sld [smem:$0x3FBA];
	_ =	sdelay $0x3  }
0x34: {  	[smem:$0x3FBA] =	sst s10  }
0x35: {  	s10 =	sld [smem:$0x3FB9];
	_ =	sdelay $0x3  }
0x36: {  	p1 =	seq.s32 s10, $0x1;
	s10 =	sld [smem:$0x3FBA];
	_ =	sdelay $0x3  }
0x37: {  	[smem:$0x3FBA] =	sst s10  }
0x38: {  	s10 =	sld [smem:$0x3FBB]  }
0x39: {  	_ = 	snop;
	(pc) =	sbr.ind lr, $3  }
0x3a: {  	_ = 	snop  }
0x3b: {  	_ = 	snop  }
0x3c: {  	p2 =	seq.s32 s10, $0x1;
	s10 =	sld [smem:$0x3FBA]  }
0x3d: {  	_ =	shalt  }
0x3e: {  	_ =	shalt  }
0x3f: {  	_ =	shalt  }
0x40: {  	_ =	shalt  }
0x41: {  	_ =	shalt  }
0x42: {  	_ =	shalt  }
0x43: {  	_ =	shalt  }
0x44: {  	_ =	shalt  }
0x45: {  	_ =	shalt  }
0x46: {  	_ =	shalt  }
0x47: {  	_ =	shalt  }
0x48: {  	_ =	shalt  }
0x49: {  	_ =	shalt  }
0x4a: {  	_ =	shalt  }
0x4b: {  	_ =	shalt  }
0x4c: {  	_ =	shalt  }
0x4d: {  	_ =	shalt  }
0x4e: {  	_ =	shalt  }
0x4f: {  	_ =	shalt  }
0x50: {  	_ =	shalt  }
0x51: {  	_ =	shalt  }
0x52: {  	_ =	shalt  }
0x53: {  	_ =	shalt  }
0x54: {  	_ =	shalt  }
0x55: {  	_ =	shalt  }
0x56: {  	_ =	shalt  }
0x57: {  	_ =	shalt  }
0x58: {  	_ =	shalt  }
0x59: {  	_ =	shalt  }
0x5a: {  	_ =	shalt  }
0x5b: {  	_ =	shalt  }
0x5c: {  	_ =	shalt  }
0x5d: {  	_ =	shalt  }
0x5e: {  	_ =	shalt  }
0x5f: {  	_ =	shalt  }
0x60: {  	_ =	shalt  }
0x61: {  	_ =	shalt  }
0x62: {  	_ =	shalt  }
0x63: {  	_ =	shalt  }
0x64: {  	_ =	shalt  }
0x65: {  	_ =	shalt  }
0x66: {  	_ =	shalt  }
0x67: {  	_ =	shalt  }
0x68: {  	_ =	shalt  }
0x69: {  	_ =	shalt  }
0x6a: {  	_ =	shalt  }
0x6b: {  	_ =	shalt  }
0x6c: {  	_ =	shalt  }
0x6d: {  	_ =	shalt  }
0x6e: {  	_ =	shalt  }
0x6f: {  	_ =	shalt  }
0x70: {  	_ =	shalt  }
0x71: {  	_ =	shalt  }
0x72: {  	_ =	shalt  }
0x73: {  	_ =	shalt  }
0x74: {  	_ =	shalt  }
0x75: {  	_ =	shalt  }
0x76: {  	_ =	shalt  }
0x77: {  	_ =	shalt  }
0x78: {  	_ =	shalt  }
0x79: {  	_ =	shalt  }
0x7a: {  	_ =	shalt  }
0x7b: {  	_ =	shalt  }
0x7c: {  	_ =	shalt  }
0x7d: {  	_ =	shalt  }
0x7e: {  	_ =	shalt  }
0x7f: {  	_ =	shalt  }
0x80: {  	_ =	shalt  }
0x81: {  	_ =	shalt  }
0x82: {  	_ =	shalt  }
0x83: {  	_ =	shalt  }
0x84: {  	_ =	shalt  }
0x85: {  	_ =	shalt  }
0x86: {  	_ =	shalt  }
0x87: {  	_ =	shalt  }
.Lfunc_end0:
.L_simem_size_0:
called_computation_lowered:
.L_overlay_start_0:
0x88: {  	s2 =	sld [smem:$0x3FD9]  }
0x89: {  	s3 =	sld [smem:$0x3FFE];
	_ =	sdelay $0x1  }
0x8a: {  	s1 =	srdreg.scid  }
0x8b: {  	s0 =	sand.u32 $0x1, s1  }
0x8c: {  	s17 =	sshll.u32 s0, $0xA;
	s2 =	sadd.s32 s3, s2  }
0x8d: {  	s2 =	sadd.s32 s2, s17  }
0x8e: {  	[smem:$0x3FC6] =	sst s2  }
0x8f: {  	_ = 	snop  }
0x90: {  	s2 =	sld [smem:$0x3FC9];
	(tm) =	ssettm $0x1  }
0x91: {  	s18 =	sld [smem:$0x3FFB];
	_ =	sdelay $0x3  }
0x92: {  	_ =	strace s18  }
0x93: {  	s3 =	sld [smem:$0x3FFC];
	_ =	sdelay $0x3  }
0x94: {  	_ =	strace s3  }
0x95: {  	s3 =	sld [smem:$0x3FFD];
	_ =	sdelay $0x3  }
0x96: {  	_ =	strace s3  }
0x97: {  	_ =	strace $0x8FFFFFFF  }
0x98: {  	s19 =	sld [smem:$0x3FDB];
	_ =	sdelay $0x1  }
0x99: {  	s4 =	simm.s32 $_scs_section_size  }
0x9a: {  	s5 =	simm.s32 $_size__tile_overlayer_lowered;
	s6 =	simm.s32 $_tile_overlayer_lowered  }
0x9b: {  	s22 =	simm.s32 $0x1BFF;
	s21 =	sshll.u32 s6, $0x1;
	s3 =	sadd.s32 s4, s19  }
0x9c: {  	s7 =	simm.s32 $0x0;
	s20 =	sshll.u32 s5, $0x1;
	s5 =	sadd.s32 s21, s3  }
0x9d: {  	[timem:s7], [sflag:s22] =	dma.local [hbm:s5], s20  }
0x9e: {  	_ =	swait.ge [sflag:s22], s20  }
0x9f: {  	s4 =	ssub.s32 $0x0, s20;
	[sflag:s22] =	ssyncset.done $0x0  }
0xa0: {  	[sflag:s22] =	ssyncadd.s32 s4;
	_ =	sdelay $0x1  }
0xa1: {  	s23 =	simm.s32 $0x1B8B  }
0xa2: {  	_ =	swait.ge [sflag:s23], $0x1  }
0xa3: {  	[sflag:s23] =	ssyncset.done $0x0  }
0xa4: {  	s25 =	simm.s32 $0x1B8E;
	s24 =	sld [smem:$0x3FFE];
	[sflag:s23] =	ssyncadd.s32 $0xFFFFFFFF  }
0xa5: {  	s26 =	simm.s32 $execute0_lowered;
	[smem:$0x3FD2] =	sst s25  }
0xa6: {  	s5 =	sshll.u32 s26, $0x1;
	_ =	strace $0x80000046;
	[dreg:$0x1] =	wrdreg $0xFFFFFFFF  }
0xa7: {  	s28 =	simm.s32 $_size_execute0_lowered;
	s3 =	sadd.s32 s3, s5;
	[dreg:$0x0] =	wrdreg $0x0  }
0xa8: {  	s5 =	sshll.u32 s28, $0x1;
	[dreg:$0x2] =	wrdreg s3  }
0xa9: {  	[dreg:$0x3] =	wrdreg s5  }
0xaa: {  	[dreg:$0x4] =	wrdreg $0xC0  }
0xab: {  	_ =	task [dreg:s7], $0x5FFFF  }
0xac: {  	[dreg:$0x1] =	wrdreg $0xFFFFFFFF  }
0xad: {  	[dreg:$0x0] =	wrdreg $0x60  }
0xae: {  	[dreg:$0x2] =	wrdreg s2  }
0xaf: {  	[dreg:$0x3] =	wrdreg s24  }
0xb0: {  	[dreg:$0x4] =	wrdreg $0x9  }
0xb1: {  	_ =	task.clear_ibuf [dreg:s7], $0x5FFFF;
	_ =	strace $0x90000046  }
0xb2: {  	s29 =	simm.s32 $0x9;
	_ =	strace $0x80000048  }
0xb3: {  	_ =	swait.ge [sflag:s29], $0x1  }
0xb4: {  	[sflag:s29] =	ssyncadd.s32 $0xFFFFFFFF  }
0xb5: {  	_ =	strace $0x90000048  }
0xb6: {  	_ =	sfence  }
0xb7: {  	s30 =	sld [smem:$0x0];
	_ =	sdelay $0x2  }
0xb8: {  	s31 =	sshll.u32 s1, $0xD;
	s1 =	sshrl.u32 s1, $0x2  }
0xb9: {  	s3 =	sand.u32 $0x4000, s31;
	s1 =	sadd.s32 s1, s30  }
0xba: {  	s0 =	sor.u32 s3, s0;
	s1 =	sshll.u32 s1, $0x11  }
0xbb: {  	s0 =	sor.u32 s1, s0  }
0xbc: {  	s0 =	sadd.s32 $0x8F2B, s0  }
0xbd: {  	[sflag:s0] =	ssyncadd.remote.s32 $0x1  }
0xbe: {  	_ =	sfence.sel $0xFFFF  }
0xbf: {  	[dreg:$0x0] =	wrdreg $0xFFFFFFFF;
	(pc) =	sbr.abs _section_cstart, $3  }
0xc0: {  	[dreg:$0x1] =	wrdreg $0xFFFFFFFF  }
0xc1: {  	_ =	task.clear_ibuf [dreg:s7], $0x2FFFF;
	_ =	strace $0x9FFFFFFF  }
0xc2: {  	(tm) =	ssettm $0x7FFFFFFF  }
0xc3: {  	_ =	shalt  }
tec
execute0_lowered:
.L_overlay_start_1:
0x0: {  	(tag) =	ssettag $0x1  }
0x1: {  	s0 =	rddreg [dreg:$0x0]  }
0x2: {  	s1 =	rddreg [dreg:$0x1]  }
0x3: {  	s2 =	simm.s32 $0x0;
	s3 =	srdreg.scid;
	s29 =	stileid.u32  }
0x4: {  	[smem:$0x7FF] =	sst s2;
	s4 =	sand.u32 $0x1, s3;
	s5 =	sshll.u32 s29, $0x1  }
0x5: {  	s3 =	sadd.s32 $0x400, s1;
	_ =	strace $0x80000047;
	s5 =	sor.u32 s4, s5  }
0x6: {  	s4 =	ssub.s32 $0x2, s4;
	s6 =	sshll.u32 s5, $0xD;
	s5 =	sshll.u32 s5, $0x6  }
0x7: {  	s7 =	sshrl.u32 s4, $0x1;
	s1 =	sadd.s32 s6, s1;
	s0 =	sadd.s32 s0, s5  }
0x8: {  	s4 =	ssub.s32 s4, s7;
	[dreg:$0xa] =	wrdreg s0;
	s30 =	sadd.s32 $0x186E00, s1  }
0x9: {  	s31 =	smax.u32 s4, $0x1;
	[dreg:$0xb] =	wrdreg s30  }
0xa: {  	s2 =	simm.s32 $0x2;
	s1 =	simm.s32 $0x0;
	[dreg:$0xc] =	wrdreg s31  }
.LBB2_1:
0xb: {  	[dreg:$0xd] =	wrdreg s1  }
0xc: {  	s0 =	simm.s32 $0x0;
	s13 =	rddreg [dreg:$0xa]  }
0xd: {  	[tilespmem:s0], [sflag:$0x2] =	stream.linear.gather [hbm4b:s13+s0], $0x200, $0x38;
	[tilespmem:$0x10200] =	vst v63  }
0xe: {  	_ =	swait.ge [sflag:s2], $0x200  }
0xf: {  	[sflag:s2] =	ssyncset.done $0x0  }
0x10: {  	[sflag:s2] =	ssyncadd.s32 $0xFFFFFE00  }
0x11: {  	v0 =	vld [tilespmem:s0+$0x0];
	_ =	sdelay $0x4  }
0x12: {  	(v2sf) =	vpush v0, $0x7;
	_ =	sdelay $0x1  }
0x13: {  	(v2sf) =	vpush v0, $0x3  }
0x14: {  	(v2sf) =	vpush v0, $0x2  }
0x15: {  	(v2sf) =	vpush v0, $0x1;
	_ =	sdelay $0x1  }
0x16: {  	(v2sf) =	vpush v0, $0x0;
	_ =	sdelay $0x3  }
0x17: {  	(v2sf) =	vpush v0, $0x5;
	_ =	sdelay $0x2  }
0x18: {  	s11 =	simm.s32 $0x0  }
0x19: {  	s24 =	simm.s32 $0x580;
	s31 =	simm.s32 $0x300;
	s14 =	simm.s32 $0x280  }
0x1a: {  	s23 =	simm.s32 $0x10;
	s13 =	simm.s32 $0x2000;
	s19 =	spop (v2sf)  }
0x1b: {  	[dreg:$0x3] =	wrdreg s14;
	s14 =	simm.s32 $0x700;
	s15 =	sshll.u32 s19, $0x7  }
0x1c: {  	s16 =	sshra.s32 s19, $0x1F;
	s4 =	spop (v2sf);
	s18 =	sand.u32 $0xFFFFFC00, s15  }
0x1d: {  	s17 =	sshrl.u32 s16, $0x1D;
	s1 =	spop (v2sf);
	s6 =	sshll.u32 s4, $0x7  }
0x1e: {  	s21 =	sshra.s32 s4, $0x1F;
	s5 =	sshll.u32 s1, $0x7;
	s7 =	spop (v2sf)  }
0x1f: {  	(v2sf) =	vpush v0, $0x4;
	s9 =	sshra.s32 s1, $0x1F;
	s6 =	sand.u32 $0xFFFFFC00, s6;
	s21 =	sshrl.u32 s21, $0x1D  }
0x20: {  	s0 =	sadd.s32 s17, s19;
	s8 =	sshra.s32 s7, $0x1F;
	s10 =	spop (v2sf)  }
0x21: {  	s20 =	sshll.u32 s7, $0x7;
	s9 =	sshrl.u32 s9, $0x1D;
	s5 =	sand.u32 $0xFFFFFC00, s5  }
0x22: {  	s21 =	sadd.s32 s21, s4;
	s0 =	sand.u32 $0xFFFFFFF8, s0;
	s8 =	sshrl.u32 s8, $0x1D  }
0x23: {  	s22 =	sshra.s32 s10, $0x1F;
	s20 =	sand.u32 $0xFFFFFC00, s20;
	s12 =	sshll.u32 s10, $0x7  }
0x24: {  	s25 =	spop (v2sf);
	s21 =	sand.u32 $0xFFFFFFF8, s21;
	s8 =	sadd.s32 s8, s7  }
0x25: {  	s22 =	sshrl.u32 s22, $0x1D;
	s26 =	sand.u32 $0xFFFFFC00, s12;
	s4 =	ssub.s32 s4, s21  }
0x26: {  	s17 =	sshll.u32 s25, $0x7;
	s8 =	sand.u32 $0xFFFFFFF8, s8;
	s22 =	sadd.s32 s22, s10  }
0x27: {  	(v2sf) =	vpush v0, $0x6;
	s21 =	sand.u32 $0xFFFFFC00, s4;
	s4 =	sshll.u32 s4, $0x7;
	s12 =	sand.u32 $0xFFFFFC00, s17  }
0x28: {  	s22 =	sand.u32 $0xFFFFFFF8, s22;
	s7 =	ssub.s32 s7, s8;
	s6 =	sadd.s32 s21, s6  }
0x29: {  	s4 =	sand.u32 $0x380, s4;
	s10 =	ssub.s32 s10, s22;
	s28 =	sand.u32 $0xFFFFFC00, s7  }
0x2a: {  	s7 =	sshll.u32 s7, $0x7;
	s4 =	sor.u32 s4, s6;
	s2 =	sand.u32 $0xFFFFFC00, s10  }
0x2b: {  	s10 =	sshll.u32 s10, $0x7;
	s20 =	sadd.s32 s28, s20;
	s4 =	sshrl.u32 s4, $0x3  }
0x2c: {  	s7 =	sand.u32 $0x380, s7;
	s28 =	sshra.s32 s25, $0x1F;
	s8 =	sadd.s32 s2, s26  }
0x2d: {  	s10 =	sand.u32 $0x380, s10;
	s7 =	sor.u32 s7, s20;
	s26 =	sadd.s32 s9, s1  }
0x2e: {  	(v2sf) =	vpush v0, $0xC;
	s17 =	sadd.s32 s3, s4;
	s8 =	sor.u32 s10, s8;
	s10 =	spop (v2sf)  }
0x2f: {  	s20 =	sshrl.u32 s7, $0x3;
	s7 =	sand.u32 $0xFFFFFFF8, s26;
	s8 =	sshrl.u32 s8, $0x3  }
0x30: {  	(v2sf) =	vpush v0, $0x8;
	s15 =	sshra.s32 s10, $0x1F;
	s16 =	sshll.u32 s10, $0x7;
	[dreg:$0x5] =	wrdreg s20  }
0x31: {  	s1 =	ssub.s32 s1, s7;
	s6 =	sshrl.u32 s15, $0x1D;
	s21 =	sand.u32 $0xFFFFFC00, s16  }
0x32: {  	s22 =	sadd.s32 s3, s8;
	s8 =	sshrl.u32 s28, $0x1D;
	s15 =	sshll.u32 s1, $0x7  }
0x33: {  	s1 =	sand.u32 $0xFFFFFC00, s1;
	s6 =	sadd.s32 s6, s10;
	s8 =	sadd.s32 s8, s25  }
0x34: {  	s1 =	sadd.s32 s1, s5;
	s6 =	sand.u32 $0xFFFFFFF8, s6;
	s7 =	sand.u32 $0xFFFFFFF8, s8  }
0x35: {  	s8 =	sand.u32 $0x380, s15;
	s6 =	ssub.s32 s10, s6;
	s7 =	ssub.s32 s25, s7  }
0x36: {  	s25 =	simm.s32 $0x480;
	s5 =	sor.u32 s8, s1;
	s2 =	spop (v2sf)  }
0x37: {  	s10 =	sand.u32 $0xFFFFFC00, s6;
	s6 =	sshll.u32 s6, $0x7;
	s26 =	sshra.s32 s2, $0x1F  }
0x38: {  	s28 =	sand.u32 $0xFFFFFC00, s7;
	s4 =	sadd.s32 s10, s21;
	s16 =	sshrl.u32 s26, $0x1D  }
0x39: {  	s10 =	sshll.u32 s2, $0x7;
	s6 =	sand.u32 $0x380, s6;
	s21 =	sadd.s32 s16, s2  }
0x3a: {  	s29 =	sadd.s32 s28, s12;
	s26 =	simm.s32 $0x400;
	s21 =	sand.u32 $0xFFFFFFF8, s21  }
0x3b: {  	s16 =	sand.u32 $0xFFFFFC00, s10;
	s20 =	ssub.s32 s2, s21;
	s2 =	sshll.u32 s7, $0x7  }
0x3c: {  	(v2sf) =	vpush v0, $0xB;
	s7 =	sor.u32 s6, s4;
	s21 =	sand.u32 $0xFFFFFC00, s20;
	s15 =	sshll.u32 s20, $0x7  }
0x3d: {  	(v2sf) =	vpush v0, $0x9;
	s1 =	sadd.s32 s21, s16;
	s20 =	sand.u32 $0x380, s15;
	s21 =	spop (v2sf)  }
0x3e: {  	s30 =	sand.u32 $0x380, s2;
	(v2sf) =	vpush v0, $0xD;
	s4 =	sor.u32 s20, s1;
	s28 =	sshra.s32 s21, $0x1F  }
0x3f: {  	s1 =	sshll.u32 s21, $0x7;
	(v2sf) =	vpush v0, $0xA;
	s6 =	spop (v2sf);
	s20 =	sshrl.u32 s28, $0x1D  }
.LBB2_2:
0x40: {  	_ =	sdelay $0x5  }
0x41: {  	[dreg:$0x8] =	wrdreg s17;
	s4 =	sshrl.u32 s4, $0x3;
	s1 =	sand.u32 $0xFFFFFC00, s1  }
0x42: {  	s15 =	smov.u32 s13;
	s9 =	sshra.s32 s6, $0x1F;
	[dreg:$0x7] =	wrdreg s1  }
0x43: {  	s5 =	sshrl.u32 s5, $0x3;
	s0 =	ssub.s32 s19, s0;
	[dreg:$0x4] =	wrdreg s15  }
0x44: {  	s16 =	sadd.s32 s3, s4;
	s1 =	smov.u32 s23;
	s9 =	sshrl.u32 s9, $0x1D  }
0x45: {  	s23 =	sand.u32 $0xFFFFFC00, s0;
	s0 =	sshll.u32 s0, $0x7;
	s5 =	sadd.s32 s3, s5  }
0x46: {  	[dreg:$0x6] =	wrdreg s16;
	s16 =	sshll.u32 s6, $0x7;
	s8 =	spop (v2sf)  }
0x47: {  	s0 =	sand.u32 $0x380, s0;
	s16 =	sand.u32 $0xFFFFFC00, s16;
	s17 =	sshra.s32 s8, $0x1F  }
0x48: {  	s10 =	sshll.u32 s8, $0x7;
	s12 =	spop (v2sf);
	s4 =	sshrl.u32 s17, $0x1D  }
0x49: {  	s15 =	sshll.u32 s12, $0x7;
	s2 =	sshra.s32 s12, $0x1F;
	s28 =	sadd.s32 s4, s8  }
0x4a: {  	s4 =	spop (v2sf);
	s15 =	sand.u32 $0xFFFFFC00, s15;
	s17 =	sshrl.u32 s2, $0x1D  }
0x4b: {  	s2 =	sadd.s32 s9, s6;
	s9 =	sshrl.u32 s7, $0x3;
	s7 =	sadd.s32 s23, s18  }
0x4c: {  	s18 =	sand.u32 $0xFFFFFC00, s10;
	s17 =	sadd.s32 s17, s12;
	s19 =	sand.u32 $0xFFFFFFF8, s28  }
0x4d: {  	(v2sf) =	vpush v0, $0xE;
	s2 =	sand.u32 $0xFFFFFFF8, s2;
	s0 =	sor.u32 s0, s7;
	s7 =	sadd.s32 $0x380, s11  }
0x4e: {  	s9 =	sadd.s32 s3, s9;
	s17 =	sand.u32 $0xFFFFFFF8, s17;
	s8 =	ssub.s32 s8, s19  }
0x4f: {  	s2 =	ssub.s32 s6, s2;
	s0 =	sshrl.u32 s0, $0x3;
	s28 =	ssub.s32 s12, s17  }
0x50: {  	s12 =	spop (v2sf);
	s19 =	sand.u32 $0xFFFFFC00, s2;
	s2 =	sshll.u32 s2, $0x7  }
0x51: {  	[dreg:$0x9] =	wrdreg s0;
	s23 =	sand.u32 $0xFFFFFC00, s28;
	s16 =	sadd.s32 s19, s16  }
0x52: {  	s6 =	sshll.u32 s28, $0x7;
	s0 =	sshra.s32 s12, $0x1F;
	s2 =	sand.u32 $0x380, s2  }
0x53: {  	s28 =	sadd.s32 s23, s15;
	s6 =	sand.u32 $0x380, s6;
	s15 =	sshll.u32 s12, $0x7  }
0x54: {  	s19 =	sshrl.u32 s0, $0x1D;
	s2 =	sor.u32 s2, s16;
	s6 =	sor.u32 s6, s28  }
0x55: {  	s28 =	sand.u32 $0xFFFFFC00, s8;
	s0 =	sadd.s32 s19, s12;
	s8 =	sshll.u32 s8, $0x7  }
0x56: {  	(v2sf) =	vpush v0, $0xF;
	s19 =	sshra.s32 s4, $0x1F;
	s15 =	sand.u32 $0xFFFFFC00, s15;
	s2 =	sshrl.u32 s2, $0x3  }
0x57: {  	s17 =	sadd.s32 s28, s18;
	s10 =	sshrl.u32 s6, $0x3;
	s18 =	sand.u32 $0xFFFFFFF8, s0  }
0x58: {  	s6 =	sand.u32 $0x380, s8;
	s16 =	sshrl.u32 s19, $0x1D;
	s8 =	ssub.s32 s12, s18  }
0x59: {  	s12 =	sor.u32 s6, s17;
	s17 =	sshll.u32 s4, $0x7;
	s16 =	sadd.s32 s16, s4  }
0x5a: {  	s10 =	sadd.s32 s3, s10;
	s0 =	sand.u32 $0xFFFFFC00, s8;
	s8 =	sshll.u32 s8, $0x7  }
0x5b: {  	s17 =	sand.u32 $0xFFFFFC00, s17;
	s15 =	sadd.s32 s0, s15;
	s8 =	sand.u32 $0x380, s8  }
0x5c: {  	s0 =	smov.u32 s31;
	s8 =	sor.u32 s8, s15;
	s23 =	spop (v2sf)  }
0x5d: {  	s15 =	sand.u32 $0xFFFFFFF8, s16;
	s18 =	sshrl.u32 s8, $0x3;
	s28 =	sshra.s32 s23, $0x1F  }
0x5e: {  	s4 =	ssub.s32 s4, s15;
	s31 =	sshll.u32 s23, $0x7;
	s6 =	sshrl.u32 s28, $0x1D  }
0x5f: {  	s28 =	sadd.s32 s6, s23;
	s6 =	sadd.s32 s3, s2;
	s2 =	sshrl.u32 s12, $0x3  }
0x60: {  	s12 =	sand.u32 $0xFFFFFC00, s31;
	s31 =	sshll.u32 s4, $0x7;
	s4 =	sand.u32 $0xFFFFFC00, s4  }
0x61: {  	s28 =	sand.u32 $0xFFFFFFF8, s28;
	s4 =	sadd.s32 s4, s17;
	s17 =	sand.u32 $0x380, s31  }
0x62: {  	s15 =	ssub.s32 s23, s28;
	s23 =	sadd.s32 $0x200, s11;
	s28 =	smov.u32 s13  }
0x63: {  	s13 =	smov.u32 s14;
	s14 =	simm.s32 $0x0;
	s17 =	sor.u32 s17, s4  }
0x64: {  	[tilespmem:s23], [sflag:$0x1] =	stream.linear.gather [hbm4b:s22+s14], $0x80, $0x38;
	[tilespmem:$0x10200] =	vst v63  }
0x65: {  	s4 =	sadd.s32 s3, s2;
	s19 =	spop (v2sf);
	s23 =	smov.u32 s1  }
0x66: {  	s1 =	sadd.s32 s20, s21;
	s20 =	rddreg [dreg:$0x5];
	s8 =	sshll.u32 s19, $0x7  }
0x67: {  	s22 =	sand.u32 $0xFFFFFFF8, s1;
	s1 =	sadd.s32 s3, s20;
	s20 =	rddreg [dreg:$0x7]  }
0x68: {  	s16 =	sshra.s32 s19, $0x1F;
	s21 =	ssub.s32 s21, s22;
	s22 =	rddreg [dreg:$0x3]  }
0x69: {  	[tilespmem:s22], [sflag:$0x1] =	stream.linear.gather [hbm4b:s1+s14], $0x80, $0x38;
	[tilespmem:$0x10200] =	vst v63  }
0x6a: {  	s1 =	sand.u32 $0xFFFFFC00, s21;
	s22 =	sshll.u32 s21, $0x7;
	s21 =	sor.u32 s30, s29  }
0x6b: {  	s1 =	sadd.s32 s1, s20;
	s20 =	rddreg [dreg:$0x8];
	s2 =	sand.u32 $0x380, s22  }
0x6c: {  	[tilespmem:s0], [sflag:$0x1] =	stream.linear.gather [hbm4b:s5+s14], $0x80, $0x38;
	[tilespmem:$0x10200] =	vst v63  }
0x6d: {  	s22 =	sand.u32 $0xFFFFFC00, s15;
	s15 =	sshll.u32 s15, $0x7;
	s5 =	sshrl.u32 s17, $0x3  }
0x6e: {  	[tilespmem:s7], [sflag:$0x1] =	stream.linear.gather [hbm4b:s20+s14], $0x80, $0x38;
	[tilespmem:$0x10200] =	vst v63  }
0x6f: {  	s12 =	sadd.s32 s22, s12;
	s1 =	sor.u32 s2, s1;
	s7 =	sshrl.u32 s21, $0x3  }
0x70: {  	[tilespmem:s26], [sflag:$0x1] =	stream.linear.gather [hbm4b:s9+s14], $0x80, $0x38;
	[tilespmem:$0x10200] =	vst v63  }
0x71: {  	s0 =	sshrl.u32 s16, $0x1D;
	s16 =	rddreg [dreg:$0x6];
	s7 =	sadd.s32 s3, s7  }
0x72: {  	[tilespmem:s25], [sflag:$0x1] =	stream.linear.gather [hbm4b:s7+s14], $0x80, $0x38;
	[tilespmem:$0x10200] =	vst v63  }
0x73: {  	s17 =	rddreg [dreg:$0x9];
	s26 =	sand.u32 $0x380, s15;
	s15 =	sadd.s32 $0x500, s11  }
0x74: {  	[tilespmem:s15], [sflag:$0x1] =	stream.linear.gather [hbm4b:s16+s14], $0x80, $0x38;
	[tilespmem:$0x10200] =	vst v63  }
0x75: {  	s22 =	sadd.s32 $0x680, s11;
	s9 =	sadd.s32 s0, s19;
	s0 =	sadd.s32 s3, s17  }
0x76: {  	[tilespmem:s24], [sflag:$0x1] =	stream.linear.gather [hbm4b:s0+s14], $0x80, $0x38;
	[tilespmem:$0x10200] =	vst v63  }
0x77: {  	s1 =	sshrl.u32 s1, $0x3;
	s5 =	sadd.s32 s3, s5;
	s21 =	sadd.s32 $0x600, s11  }
0x78: {  	[tilespmem:s21], [sflag:$0x1] =	stream.linear.gather [hbm4b:s6+s14], $0x80, $0x38;
	[tilespmem:$0x10200] =	vst v63  }
0x79: {  	s1 =	sadd.s32 s3, s1;
	s2 =	sor.u32 s26, s12;
	s20 =	sand.u32 $0xFFFFFFF8, s9  }
0x7a: {  	[tilespmem:s22], [sflag:$0x1] =	stream.linear.gather [hbm4b:s10+s14], $0x80, $0x38;
	[tilespmem:$0x10200] =	vst v63  }
0x7b: {  	s26 =	sadd.s32 s3, s18;
	s9 =	sadd.s32 $0x780, s11;
	s7 =	ssub.s32 s19, s20  }
0x7c: {  	[tilespmem:s13], [sflag:$0x1] =	stream.linear.gather [hbm4b:s26+s14], $0x80, $0x38;
	[tilespmem:$0x10200] =	vst v63  }
0x7d: {  	s25 =	sand.u32 $0xFFFFFC00, s7;
	s7 =	sshll.u32 s7, $0x7;
	s24 =	sand.u32 $0xFFFFFC00, s8  }
0x7e: {  	[tilespmem:s9], [sflag:$0x1] =	stream.linear.gather [hbm4b:s4+s14], $0x80, $0x38;
	[tilespmem:$0x10200] =	vst v63  }
0x7f: {  	s7 =	sand.u32 $0x380, s7;
	s0 =	sadd.s32 s25, s24;
	s10 =	sadd.s32 $0x800, s11  }
0x80: {  	[tilespmem:s10], [sflag:$0x1] =	stream.linear.gather [hbm4b:s1+s14], $0x80, $0x38;
	[tilespmem:$0x10200] =	vst v63  }
0x81: {  	s12 =	sadd.s32 $0x880, s11;
	s2 =	sshrl.u32 s2, $0x3;
	s0 =	sor.u32 s7, s0  }
0x82: {  	[tilespmem:s12], [sflag:$0x1] =	stream.linear.gather [hbm4b:s5+s14], $0x80, $0x38;
	[tilespmem:$0x10200] =	vst v63  }
0x83: {  	s2 =	sadd.s32 s3, s2;
	s15 =	sadd.s32 $0x900, s11;
	s0 =	sshrl.u32 s0, $0x3  }
0x84: {  	[tilespmem:s15], [sflag:$0x1] =	stream.linear.gather [hbm4b:s2+s14], $0x80, $0x38;
	[tilespmem:$0x10200] =	vst v63  }
0x85: {  	s16 =	sadd.s32 $0x980, s11;
	s0 =	sadd.s32 s3, s0  }
0x86: {  	[tilespmem:s16], [sflag:$0x1] =	stream.linear.gather [hbm4b:s0+s14], $0x80, $0x38;
	[tilespmem:$0x10200] =	vst v63  }
0x87: {  	v0 =	vld [tilespmem:s23+$0x0];
	_ =	sdelay $0x4  }
0x88: {  	(v2sf) =	vpush v0, $0x7;
	_ =	sdelay $0x1  }
0x89: {  	(v2sf) =	vpush v0, $0x3  }
0x8a: {  	(v2sf) =	vpush v0, $0x2  }
0x8b: {  	(v2sf) =	vpush v0, $0x1;
	_ =	sdelay $0x1  }
0x8c: {  	(v2sf) =	vpush v0, $0x0;
	_ =	sdelay $0x2  }
0x8d: {  	(v2sf) =	vpush v0, $0x5;
	_ =	sdelay $0x1  }
0x8e: {  	s17 =	rddreg [dreg:$0x4]  }
0x8f: {  	s11 =	sshra.s32 s17, $0x2;
	(v2sf) =	vpush v0, $0x4  }
0x90: {  	p0 =	sne.s32 s28, $0x3E000;
	s24 =	sadd.s32 $0x580, s11  }
0x91: {  	s31 =	sadd.s32 $0x300, s11;
	s13 =	sadd.s32 $0x2000, s28;
	s0 =	sadd.s32 $0x280, s11  }
0x92: {  	s14 =	sadd.s32 $0x700, s11;
	[dreg:$0x3] =	wrdreg s0;
	s19 =	spop (v2sf)  }
0x93: {  	s23 =	sadd.s32 $0x10, s23;
	s18 =	sshll.u32 s19, $0x7;
	s20 =	sshra.s32 s19, $0x1F  }
0x94: {  	s2 =	spop (v2sf);
	s18 =	sand.u32 $0xFFFFFC00, s18;
	s6 =	sshrl.u32 s20, $0x1D  }
0x95: {  	s1 =	spop (v2sf);
	s7 =	sshll.u32 s2, $0x7;
	s12 =	sshra.s32 s2, $0x1F  }
0x96: {  	s5 =	sshll.u32 s1, $0x7;
	s8 =	spop (v2sf);
	s22 =	sshra.s32 s1, $0x1F  }
0x97: {  	s7 =	sand.u32 $0xFFFFFC00, s7;
	s12 =	sshrl.u32 s12, $0x1D;
	s6 =	sadd.s32 s6, s19  }
0x98: {  	s21 =	sshra.s32 s8, $0x1F;
	s9 =	spop (v2sf);
	s25 =	sshll.u32 s8, $0x7  }
0x99: {  	s5 =	sand.u32 $0xFFFFFC00, s5;
	s12 =	sadd.s32 s12, s2;
	s0 =	sshrl.u32 s21, $0x1D  }
0x9a: {  	s26 =	sshra.s32 s9, $0x1F;
	s10 =	sand.u32 $0xFFFFFC00, s25;
	s21 =	sshll.u32 s9, $0x7  }
0x9b: {  	s4 =	spop (v2sf);
	s12 =	sand.u32 $0xFFFFFFF8, s12;
	s28 =	sadd.s32 s0, s8  }
0x9c: {  	s0 =	sshrl.u32 s22, $0x1D;
	s17 =	sshrl.u32 s26, $0x1D;
	s25 =	sand.u32 $0xFFFFFC00, s21  }
0x9d: {  	s2 =	ssub.s32 s2, s12;
	s20 =	sand.u32 $0xFFFFFFF8, s28;
	s22 =	sadd.s32 s17, s9  }
0x9e: {  	s28 =	spop (v2sf);
	s0 =	sadd.s32 s0, s1;
	s17 =	sand.u32 $0xFFFFFFF8, s22  }
0x9f: {  	s8 =	ssub.s32 s8, s20;
	s20 =	sshra.s32 s28, $0x1F;
	s21 =	sshll.u32 s28, $0x7  }
0xa0: {  	(v2sf) =	vpush v0, $0x6;
	s22 =	sshll.u32 s4, $0x7;
	s9 =	ssub.s32 s9, s17;
	s26 =	sand.u32 $0xFFFFFC00, s8  }
0xa1: {  	s8 =	sshll.u32 s8, $0x7;
	s17 =	sand.u32 $0xFFFFFC00, s9;
	s9 =	sshll.u32 s9, $0x7  }
0xa2: {  	s10 =	sadd.s32 s26, s10;
	s8 =	sand.u32 $0x380, s8;
	s26 =	sand.u32 $0xFFFFFFF8, s0  }
0xa3: {  	s0 =	sand.u32 $0xFFFFFFF8, s6;
	s15 =	sadd.s32 s17, s25;
	s9 =	sand.u32 $0x380, s9  }
0xa4: {  	s17 =	sand.u32 $0xFFFFFC00, s2;
	s2 =	sshll.u32 s2, $0x7;
	s8 =	sor.u32 s8, s10  }
0xa5: {  	(v2sf) =	vpush v0, $0xC;
	s10 =	sand.u32 $0xFFFFFC00, s22;
	s25 =	sshra.s32 s4, $0x1F;
	s1 =	ssub.s32 s1, s26  }
0xa6: {  	s9 =	sor.u32 s9, s15;
	s7 =	sadd.s32 s17, s7;
	s2 =	sand.u32 $0x380, s2  }
0xa7: {  	(v2sf) =	vpush v0, $0x8;
	s15 =	sand.u32 $0xFFFFFC00, s21;
	s8 =	sshrl.u32 s8, $0x3;
	s16 =	sshll.u32 s1, $0x7  }
0xa8: {  	s1 =	sand.u32 $0xFFFFFC00, s1;
	s9 =	sshrl.u32 s9, $0x3;
	s2 =	sor.u32 s2, s7  }
0xa9: {  	s7 =	sshrl.u32 s20, $0x1D;
	[dreg:$0x5] =	wrdreg s8;
	s8 =	sshrl.u32 s25, $0x1D  }
0xaa: {  	s16 =	sand.u32 $0x380, s16;
	s25 =	sadd.s32 $0x480, s11;
	s1 =	sadd.s32 s1, s5  }
0xab: {  	s2 =	sshrl.u32 s2, $0x3;
	s7 =	sadd.s32 s7, s28;
	s22 =	sadd.s32 s3, s9  }
0xac: {  	s8 =	sadd.s32 s8, s4;
	s5 =	sor.u32 s16, s1;
	s7 =	sand.u32 $0xFFFFFFF8, s7  }
0xad: {  	s17 =	sadd.s32 s3, s2;
	s8 =	sand.u32 $0xFFFFFFF8, s8;
	s7 =	ssub.s32 s28, s7  }
0xae: {  	s4 =	ssub.s32 s4, s8;
	s28 =	sand.u32 $0xFFFFFC00, s7;
	s7 =	sshll.u32 s7, $0x7  }
0xaf: {  	s6 =	sadd.s32 s28, s15;
	s28 =	sand.u32 $0xFFFFFC00, s4;
	s9 =	spop (v2sf)  }
0xb0: {  	s7 =	sand.u32 $0x380, s7;
	s15 =	sshll.u32 s4, $0x7;
	s20 =	sshra.s32 s9, $0x1F  }
0xb1: {  	s29 =	sadd.s32 s28, s10;
	s7 =	sor.u32 s7, s6;
	s12 =	sshrl.u32 s20, $0x1D  }
0xb2: {  	s30 =	sand.u32 $0x380, s15;
	s21 =	sshll.u32 s9, $0x7;
	s26 =	sadd.s32 s12, s9  }
.Ltmp0:
0xb3: {  	s16 =	sand.u32 $0xFFFFFC00, s21;
	s8 =	sand.u32 $0xFFFFFFF8, s26;
	(pc) =	sbr.rel @p0 .LBB2_2-.Ltmp0, $4  }
0xb4: {  	(v2sf) =	vpush v0, $0xB;
	s21 =	spop (v2sf);
	s26 =	sadd.s32 $0x400, s11;
	s9 =	ssub.s32 s9, s8  }
0xb5: {  	(v2sf) =	vpush v0, $0x9;
	s28 =	sshra.s32 s21, $0x1F;
	s8 =	sand.u32 $0xFFFFFC00, s9;
	s4 =	sshll.u32 s9, $0x7  }
0xb6: {  	(v2sf) =	vpush v0, $0xD;
	s6 =	spop (v2sf);
	s1 =	sadd.s32 s8, s16;
	s20 =	sand.u32 $0x380, s4  }
0xb7: {  	(v2sf) =	vpush v0, $0xA;
	s4 =	sor.u32 s20, s1;
	s1 =	sshll.u32 s21, $0x7;
	s20 =	sshrl.u32 s28, $0x1D  }
0xb8: {  	s2 =	sadd.s32 $0x200, s11;
	s8 =	simm.s32 $0x0;
	s13 =	rddreg [dreg:$0x5]  }
0xb9: {  	[tilespmem:s2], [sflag:$0x1] =	stream.linear.gather [hbm4b:s22+s8], $0x80, $0x38;
	[tilespmem:$0x10200] =	vst v63  }
0xba: {  	s9 =	rddreg [dreg:$0x3];
	s15 =	sshrl.u32 s5, $0x3;
	s2 =	sadd.s32 s3, s13  }
0xbb: {  	[tilespmem:s9], [sflag:$0x1] =	stream.linear.gather [hbm4b:s2+s8], $0x80, $0x38;
	[tilespmem:$0x10200] =	vst v63  }
0xbc: {  	s2 =	sadd.s32 s3, s15  }
0xbd: {  	[tilespmem:s31], [sflag:$0x1] =	stream.linear.gather [hbm4b:s2+s8], $0x80, $0x38;
	[tilespmem:$0x10200] =	vst v63  }
0xbe: {  	s16 =	sadd.s32 $0x380, s11  }
0xbf: {  	[tilespmem:s16], [sflag:$0x1] =	stream.linear.gather [hbm4b:s17+s8], $0x80, $0x38;
	[tilespmem:$0x10200] =	vst v63  }
0xc0: {  	s0 =	ssub.s32 s19, s0;
	s28 =	sadd.s32 $0x500, s11;
	s17 =	sshrl.u32 s7, $0x3  }
0xc1: {  	s10 =	sshll.u32 s6, $0x7;
	s22 =	sor.u32 s30, s29;
	s2 =	sadd.s32 s3, s17  }
0xc2: {  	[tilespmem:s26], [sflag:$0x1] =	stream.linear.gather [hbm4b:s2+s8], $0x80, $0x38;
	[tilespmem:$0x10200] =	vst v63  }
0xc3: {  	s23 =	sand.u32 $0xFFFFFC00, s0;
	s0 =	sshll.u32 s0, $0x7;
	s2 =	sshrl.u32 s22, $0x3  }
0xc4: {  	s29 =	sshra.s32 s6, $0x1F;
	s0 =	sand.u32 $0x380, s0;
	s2 =	sadd.s32 s3, s2  }
0xc5: {  	[tilespmem:s25], [sflag:$0x1] =	stream.linear.gather [hbm4b:s2+s8], $0x80, $0x38;
	[tilespmem:$0x10200] =	vst v63  }
0xc6: {  	s2 =	sadd.s32 s23, s18;
	s25 =	sshrl.u32 s4, $0x3;
	s4 =	spop (v2sf)  }
0xc7: {  	s0 =	sor.u32 s0, s2;
	s26 =	sadd.s32 s3, s25;
	s30 =	spop (v2sf)  }
0xc8: {  	[tilespmem:s28], [sflag:$0x1] =	stream.linear.gather [hbm4b:s26+s8], $0x80, $0x38;
	[tilespmem:$0x10200] =	vst v63  }
0xc9: {  	s15 =	sadd.s32 $0x600, s11;
	s0 =	sshrl.u32 s0, $0x3;
	s7 =	sshra.s32 s30, $0x1F  }
0xca: {  	s31 =	sshrl.u32 s29, $0x1D;
	s0 =	sadd.s32 s3, s0;
	s2 =	sshrl.u32 s7, $0x1D  }
0xcb: {  	[tilespmem:s24], [sflag:$0x1] =	stream.linear.gather [hbm4b:s0+s8], $0x80, $0x38;
	[tilespmem:$0x10200] =	vst v63  }
0xcc: {  	s9 =	sshll.u32 s30, $0x7;
	s0 =	sadd.s32 s31, s6;
	s2 =	sadd.s32 s2, s30  }
0xcd: {  	s7 =	sand.u32 $0xFFFFFC00, s9;
	s0 =	sand.u32 $0xFFFFFFF8, s0;
	s2 =	sand.u32 $0xFFFFFFF8, s2  }
0xce: {  	s0 =	ssub.s32 s6, s0;
	s6 =	sand.u32 $0xFFFFFC00, s10;
	s2 =	ssub.s32 s30, s2  }
0xcf: {  	s12 =	sand.u32 $0xFFFFFC00, s0;
	s0 =	sshll.u32 s0, $0x7;
	s13 =	sand.u32 $0xFFFFFC00, s2  }
0xd0: {  	s2 =	sshll.u32 s2, $0x7;
	s5 =	sadd.s32 s12, s6;
	s0 =	sand.u32 $0x380, s0  }
0xd1: {  	s6 =	sadd.s32 s13, s7;
	s2 =	sand.u32 $0x380, s2;
	s5 =	sor.u32 s0, s5  }
0xd2: {  	s0 =	spop (v2sf);
	s2 =	sor.u32 s2, s6;
	s5 =	sshrl.u32 s5, $0x3  }
0xd3: {  	s2 =	sshrl.u32 s2, $0x3;
	s16 =	spop (v2sf);
	s5 =	sadd.s32 s3, s5  }
0xd4: {  	[tilespmem:s15], [sflag:$0x1] =	stream.linear.gather [hbm4b:s5+s8], $0x80, $0x38;
	[tilespmem:$0x10200] =	vst v63  }
0xd5: {  	s17 =	sadd.s32 $0x680, s11;
	s2 =	sadd.s32 s3, s2;
	s18 =	sshra.s32 s16, $0x1F  }
0xd6: {  	[tilespmem:s17], [sflag:$0x1] =	stream.linear.gather [hbm4b:s2+s8], $0x80, $0x38;
	[tilespmem:$0x10200] =	vst v63  }
0xd7: {  	(v2sf) =	vpush v0, $0xE;
	s2 =	sshrl.u32 s18, $0x1D  }
0xd8: {  	s2 =	sadd.s32 s2, s16  }
0xd9: {  	s2 =	sand.u32 $0xFFFFFFF8, s2  }
0xda: {  	s19 =	sshll.u32 s16, $0x7;
	s2 =	ssub.s32 s16, s2  }
0xdb: {  	s22 =	sand.u32 $0xFFFFFC00, s19;
	s23 =	sand.u32 $0xFFFFFC00, s2;
	s2 =	sshll.u32 s2, $0x7  }
0xdc: {  	s5 =	sadd.s32 s23, s22;
	s2 =	sand.u32 $0x380, s2  }
0xdd: {  	s2 =	sor.u32 s2, s5  }
0xde: {  	s2 =	sshrl.u32 s2, $0x3  }
0xdf: {  	s24 =	sshra.s32 s4, $0x1F;
	s2 =	sadd.s32 s3, s2  }
0xe0: {  	[tilespmem:s14], [sflag:$0x1] =	stream.linear.gather [hbm4b:s2+s8], $0x80, $0x38;
	[tilespmem:$0x10200] =	vst v63  }
0xe1: {  	s1 =	sand.u32 $0xFFFFFC00, s1;
	s2 =	sshrl.u32 s24, $0x1D  }
0xe2: {  	s29 =	sadd.s32 s20, s21;
	s25 =	sshll.u32 s4, $0x7;
	s2 =	sadd.s32 s2, s4  }
0xe3: {  	s26 =	sand.u32 $0xFFFFFC00, s25;
	s9 =	sadd.s32 $0x780, s11;
	s2 =	sand.u32 $0xFFFFFFF8, s2  }
0xe4: {  	s30 =	sand.u32 $0xFFFFFFF8, s29;
	s12 =	sadd.s32 $0x800, s11;
	s2 =	ssub.s32 s4, s2  }
0xe5: {  	s5 =	ssub.s32 s21, s30;
	s28 =	sand.u32 $0xFFFFFC00, s2;
	s2 =	sshll.u32 s2, $0x7  }
0xe6: {  	s7 =	spop (v2sf);
	(v2sf) =	vpush v0, $0xF;
	s4 =	sadd.s32 s28, s26;
	s2 =	sand.u32 $0x380, s2  }
0xe7: {  	s31 =	sand.u32 $0xFFFFFC00, s5;
	s5 =	sshll.u32 s5, $0x7;
	s2 =	sor.u32 s2, s4  }
0xe8: {  	s1 =	sadd.s32 s31, s1;
	s6 =	sand.u32 $0x380, s5;
	s2 =	sshrl.u32 s2, $0x3  }
0xe9: {  	s10 =	sshra.s32 s0, $0x1F;
	s1 =	sor.u32 s6, s1;
	s2 =	sadd.s32 s3, s2  }
0xea: {  	[tilespmem:s9], [sflag:$0x1] =	stream.linear.gather [hbm4b:s2+s8], $0x80, $0x38;
	[tilespmem:$0x10200] =	vst v63  }
0xeb: {  	s14 =	sshll.u32 s0, $0x7;
	s1 =	sshrl.u32 s1, $0x3;
	s2 =	sshrl.u32 s10, $0x1D  }
0xec: {  	s1 =	sadd.s32 s3, s1;
	s13 =	sshra.s32 s7, $0x1F;
	s2 =	sadd.s32 s2, s0  }
0xed: {  	[tilespmem:s12], [sflag:$0x1] =	stream.linear.gather [hbm4b:s1+s8], $0x80, $0x38;
	[tilespmem:$0x10200] =	vst v63  }
0xee: {  	s15 =	sshll.u32 s7, $0x7;
	s1 =	sshrl.u32 s13, $0x1D;
	s2 =	sand.u32 $0xFFFFFFF8, s2  }
0xef: {  	s4 =	sand.u32 $0xFFFFFC00, s14;
	s1 =	sadd.s32 s1, s7;
	s0 =	ssub.s32 s0, s2  }
0xf0: {  	s2 =	sand.u32 $0xFFFFFC00, s15;
	s1 =	sand.u32 $0xFFFFFFF8, s1;
	s16 =	sand.u32 $0xFFFFFC00, s0  }
0xf1: {  	s0 =	sshll.u32 s0, $0x7;
	s1 =	ssub.s32 s7, s1;
	s4 =	sadd.s32 s16, s4  }
0xf2: {  	s0 =	sand.u32 $0x380, s0;
	s17 =	sand.u32 $0xFFFFFC00, s1;
	s1 =	sshll.u32 s1, $0x7  }
0xf3: {  	s0 =	sor.u32 s0, s4;
	s2 =	sadd.s32 s17, s2;
	s1 =	sand.u32 $0x380, s1  }
0xf4: {  	s18 =	sadd.s32 $0x880, s11;
	s0 =	sshrl.u32 s0, $0x3;
	s1 =	sor.u32 s1, s2  }
0xf5: {  	s0 =	sadd.s32 s3, s0;
	s19 =	spop (v2sf);
	s1 =	sshrl.u32 s1, $0x3  }
0xf6: {  	[tilespmem:s18], [sflag:$0x1] =	stream.linear.gather [hbm4b:s0+s8], $0x80, $0x38;
	[tilespmem:$0x10200] =	vst v63  }
0xf7: {  	s20 =	sadd.s32 $0x900, s11;
	s21 =	sshra.s32 s19, $0x1F;
	s1 =	sadd.s32 s3, s1  }
0xf8: {  	[tilespmem:s20], [sflag:$0x1] =	stream.linear.gather [hbm4b:s1+s8], $0x80, $0x38;
	[tilespmem:$0x10200] =	vst v63  }
0xf9: {  	s1 =	sshrl.u32 s21, $0x1D  }
0xfa: {  	s1 =	sadd.s32 s1, s19  }
0xfb: {  	s1 =	sand.u32 $0xFFFFFFF8, s1  }
0xfc: {  	s22 =	sshll.u32 s19, $0x7;
	s0 =	ssub.s32 s19, s1  }
0xfd: {  	s23 =	sand.u32 $0xFFFFFC00, s22;
	s24 =	sand.u32 $0xFFFFFC00, s0;
	s0 =	sshll.u32 s0, $0x7  }
0xfe: {  	s1 =	sadd.s32 s24, s23;
	s0 =	sand.u32 $0x380, s0  }
0xff: {  	s0 =	sor.u32 s0, s1  }
0x100: {  	s0 =	sshrl.u32 s0, $0x3  }
0x101: {  	s25 =	sadd.s32 $0x980, s11;
	s26 =	simm.s32 $0x1;
	s0 =	sadd.s32 s3, s0  }
0x102: {  	[tilespmem:s25], [sflag:$0x1] =	stream.linear.gather [hbm4b:s0+s8], $0x80, $0x38;
	[tilespmem:$0x10200] =	vst v63  }
0x103: {  	_ =	swait.ge [sflag:s26], $0x10000  }
0x104: {  	s29 =	simm.s32 $0x200;
	[sflag:s26] =	ssyncset.done $0x0  }
0x105: {  	s2 =	simm.s32 $0x2;
	s28 =	rddreg [dreg:$0xb];
	[sflag:s26] =	ssyncadd.s32 $0xFFFF0000  }
0x106: {  	[hbm4b:s28+s8] =	stream.linear.scatter [tilespmem:s29], [sflag:$0x2], $0x10000, $0x38;
	[tilespmem:$0x10200] =	vst v63  }
0x107: {  	_ =	swait.ge [sflag:s2], $0x10000  }
0x108: {  	s30 =	rddreg [dreg:$0xd]  }
0x109: {  	s31 =	rddreg [dreg:$0xc];
	s1 =	sadd.s32 $0x1, s30  }
0x10a: {  	p0 =	sne.s32 s1, s31  }
.Ltmp1:
0x10b: {  	_ = 	snop;
	(pc) =	sbr.rel @p0 .LBB2_1-.Ltmp1, $3  }
0x10c: {  	_ =	sdelay $0x1  }
0x10d: {  	[sflag:s2] =	ssyncset.done $0x0  }
0x10e: {  	[sflag:s2] =	ssyncadd.s32 $0xFFFF0000  }
0x10f: {  	_ =	sfence.sel $0x180000  }
0x110: {  	[bflag:$0x0] =	sbarrier.arrive $0xFFFF  }
0x111: {  	_ =	strace $0x90000047  }
0x112: {  	s0 =	stileid.u32;
	[bflag:$0x2] =	sbarrier.arrive $0xFFFF  }
0x113: {  	p0 =	sne.s32 s0, $0x0;
	s0 =	rddreg [dreg:$0x2]  }
0x114: {  	s0 =	sadd.s32 @!p0 $0x100000, s0  }
0x115: {  	[sflag:s0] =	ssyncadd.tile.s32 @!p0 $0x1;
	_ =	shalt  }
.Lfunc_end2:
_tile_overlayer_lowered:
.L_overlay_start_2:
0x116: {  	(tag) =	ssettag $0x2  }
0x117: {  	s0 =	rddreg [dreg:$0x0];
	s2 =	stileid.u32  }
0x118: {  	s1 =	rddreg [dreg:$0x1];
	p0 =	sne.s32 s2, $0x0  }
0x119: {  	s3 =	rddreg [dreg:$0x2];
	[bflag:$0x3] =	sbarrier.arrive $0xFFFF;
	s2 =	simm.s32 @!p0 $0x1C02  }
0x11a: {  	[timem:s3], [sflag:s2] =	dma.local @!p0 [hbm:s0], s1  }
0x11b: {  	s0 =	simm.s32 @!p0 $0x2  }
0x11c: {  	_ =	swait.ge @!p0 [sflag:s0], s1  }
0x11d: {  	s1 =	ssub.s32 @!p0 $0x0, s1;
	[sflag:s0] =	ssyncset.done @!p0 $0x0  }
0x11e: {  	[sflag:s0] =	ssyncadd.s32 @!p0 s1  }
0x11f: {  	[bflag:$0x3] =	sbarrier.arrive $0xFFFF  }
0x120: {  	_ =	shalt  }

</sc_bundles>
